<compile_context>
chip_gen: v7x
topology: tpu7x:2x2x1
jax: 0.10.2.dev20260603
libtpu: 0.0.44.dev20260713+nightly
codegen_flags: <defaults>
</compile_context>

<pallas_src>
import functools

import jax
import jax.numpy as jnp
from jax import lax
from jax.experimental import pallas as pl
from jax.experimental.pallas import tpu as pltpu
from jax.experimental.pallas import tpu_sc as plsc

_NC = 2
_NS = 16
_NW = _NC * _NS
_CH = 128

_CLIP_LO = 1e-8
_CLIP_HI = 1.0 - 1e-8
_LANES = 128


def _sc_gather_body(src_hbm, idx_hbm, out_hbm, idx_echo_hbm, idx_v, vals_v, sem):
    wid = lax.axis_index("s") * _NC + lax.axis_index("c")
    npw = idx_v.shape[0]
    span = pl.ds(wid * npw, npw)
    pltpu.sync_copy(idx_hbm.at[span], idx_v)
    pltpu.sync_copy(idx_v, idx_echo_hbm.at[span])
    nch = npw // _CH

    def fire(c, carry):
        sl = pl.ds(c * _CH, _CH)
        pltpu.async_copy(src_hbm.at[idx_v.at[sl]], vals_v.at[sl], sem)
        return carry

    def drain(c, carry):
        sl = pl.ds(c * _CH, _CH)
        pltpu.make_async_copy(src_hbm.at[idx_v.at[sl]], vals_v.at[sl], sem).wait()
        return carry

    lax.fori_loop(0, nch, fire, 0)
    lax.fori_loop(0, nch, drain, 0)
    pltpu.sync_copy(vals_v, out_hbm.at[span])


def _make_sc_gather(n_elems):
    npw = n_elems // _NW
    assert npw % _CH == 0
    assert (npw * _NW) == n_elems and npw % 8 == 0
    return functools.partial(
        pl.kernel,
        out_type=[
            jax.ShapeDtypeStruct((n_elems,), jnp.float32),
            jax.ShapeDtypeStruct((n_elems,), jnp.int32),
        ],
        mesh=plsc.VectorSubcoreMesh(core_axis_name="c", subcore_axis_name="s"),
        scratch_types=[
            pltpu.VMEM((npw,), jnp.int32),
            pltpu.VMEM((npw,), jnp.float32),
            pltpu.SemaphoreType.DMA,
        ],
    )(_sc_gather_body)


def _tc_dense_body(src_ref, sum_ref, acc_ref):
    i = pl.program_id(0)
    n_i = pl.num_programs(0)

    p = jnp.clip(src_ref[...], _CLIP_LO, _CLIP_HI)
    dense = jnp.sum(jnp.log(1.0 - p))

    @pl.when(i == 0)
    def _():
        acc_ref[0] = 0.0

    acc_ref[0] += -dense

    @pl.when(i == n_i - 1)
    def _():
        sum_ref[0, 0] = acc_ref[0]


def _tc_dense(src_t, block_rows=200):
    v, b = src_t.shape
    grid = (v // block_rows,)
    return pl.pallas_call(
        _tc_dense_body,
        grid=grid,
        in_specs=[pl.BlockSpec((block_rows, b), lambda i: (i, 0))],
        out_specs=pl.BlockSpec(memory_space=pltpu.SMEM),
        out_shape=jax.ShapeDtypeStruct((1, 1), jnp.float32),
        scratch_shapes=[pltpu.SMEM((1,), jnp.float32)],
    )(src_t)


def _tc_corr_body(t, sub, idx_ref, g_ref, sum_ref, out_ref):
    slots_i = [idx_ref[pl.ds(j * sub, sub), :] for j in range(t)]
    tot = None
    for j in range(t):
        gj = jnp.clip(g_ref[pl.ds(j * sub, sub), :], _CLIP_LO, _CLIP_HI)
        fj = jnp.log(1.0 - gj) - jnp.log(gj)
        if j == 0:
            tot = fj
        else:
            ij = slots_i[j]
            dup = ij == slots_i[0]
            for k in range(1, j):
                dup = dup | (ij == slots_i[k])
            tot = tot + jnp.where(dup, 0.0, fj)
    out_ref[0, 0] = sum_ref[0, 0] + jnp.sum(tot)


def _tc_corr(t, idx_rows, g_rows, dense_sum):
    nrows, lanes = idx_rows.shape
    sub = nrows // t
    return pl.pallas_call(
        functools.partial(_tc_corr_body, t, sub),
        in_specs=[
            pl.BlockSpec((nrows, lanes), lambda: (0, 0)),
            pl.BlockSpec((nrows, lanes), lambda: (0, 0)),
            pl.BlockSpec(memory_space=pltpu.SMEM),
        ],
        out_specs=pl.BlockSpec(memory_space=pltpu.SMEM),
        out_shape=jax.ShapeDtypeStruct((1, 1), jnp.float32),
    )(idx_rows, g_rows, dense_sum)


def kernel(src, tgt_indices):
    b, v = src.shape
    t = tgt_indices.shape[1]
    idx32 = tgt_indices.astype(jnp.int32)

    cj = idx32.T.reshape(-1)
    pos = jnp.arange(b * t, dtype=jnp.int32)
    r1 = pos % b
    idx_flat = (cj // 8) * (8 * b) + (r1 // 128) * 1024 + (cj % 8) * 128 + (
        r1 % 128)

    src_flat = (
        src.T.reshape(v // 8, 8, b // _LANES, _LANES)
        .transpose(0, 2, 1, 3)
        .reshape(-1)
    )
    g_flat, idx_echo = _make_sc_gather(b * t)(src_flat, idx_flat)
    dense_sum = _tc_dense(src.T)

    total = _tc_corr(
        t,
        idx_echo.reshape(b * t // _LANES, _LANES),
        g_flat.reshape(b * t // _LANES, _LANES),
        dense_sum,
    )
    scale = jnp.float32(1.0 / (b * v))
    return total[0, 0] * scale

# --- scband reference (transcript-rebuilt; emitter-appended) ---
"""Pipeline reference for scband-loss-61967788147159 (READ-ONLY COPY).

The authoritative reference and input builder live on the scoring server;
editing this copy changes nothing except your own understanding.
"""

import jax, jax.numpy as jnp
import numpy as np


def setup_inputs(seed: int = 0) -> dict:
    key = jax.random.key(seed)
    k1, k2 = jax.random.split(key)
    src = jax.random.uniform(k1, (4096, 1000), dtype=jnp.float32)
    tgt_indices = jax.random.randint(k2, (4096, 20), 0, 1000, dtype=jnp.int64)
    return {"src": src, "tgt_indices": tgt_indices}


def reference(src, tgt_indices):
    # src: predicted probabilities [B, V] (the y_pred[src_name] tensor)
    # tgt_indices: int indices of positive glosses per example [B, T]
    B, V = src.shape[0], src.shape[-1]
    # Build multi-hot gloss targets via scatter-overwrite (matches the python loop)
    row_ids = jnp.arange(B, dtype=tgt_indices.dtype)[:, None]
    gloss_targets = jnp.zeros((B, V), dtype=src.dtype).at[row_ids, tgt_indices].set(1.0)
    # BCELoss(reduction='none') on clamped probabilities, then mean
    p = jnp.clip(src, 1e-08, 1.0 - 1e-08)
    loss = -(gloss_targets * jnp.log(p) + (1.0 - gloss_targets) * jnp.log(1.0 - p))
    return loss.mean()

if __name__ == "__main__":
    import jax
    _d = setup_inputs()
    print(jax.jit(kernel)(*tuple(_d.values())))

</pallas_src>

<mosaic_0001>
#map = affine_map<(d0, d1) -> (0)>
module attributes {stable_mosaic.version = 14 : i64} {
  func.func @_sc_gather_body(%arg0: i32, %arg1: i32, %arg2: memref<4096000xf32, #tpu.memory_space<hbm>>, %arg3: memref<81920xi32, #tpu.memory_space<hbm>>, %arg4: memref<81920xf32, #tpu.memory_space<hbm>>, %arg5: memref<81920xi32, #tpu.memory_space<hbm>>, %arg6: memref<2560xi32, #tpu.memory_space<vmem>>, %arg7: memref<2560xf32, #tpu.memory_space<vmem>>, %arg8: memref<!tpu.dma_semaphore, #tpu.memory_space<semaphore_mem>>) attributes {dimension_semantics = [#tpu.dimension_semantics<core_parallel>, #tpu.dimension_semantics<subcore_parallel>], iteration_bounds = array<i64: 2, 16>, scalar_prefetch = 0 : i64, scratch_operands = 3 : i64, tpu.core_type = #tpu.core_type<sc_vector_subcore>, window_params = [{transform_indices = #map}, {transform_indices = #map}, {transform_indices = #map}, {transform_indices = #map}]} {
    %mul3A = arith.constant 2 : i32
    %mul3A_0 = arith.muli %arg1, %mul3A : i32
    %add3A = arith.addi %mul3A_0, %arg0 : i32
    %mul3A_1 = arith.constant 2560 : i32
    %mul3A_2 = arith.muli %add3A, %mul3A_1 : i32
    "tpu.region"() ({
      %run_scoped3A = tpu.sem_alloc : memref<!tpu.dma_semaphore, #tpu.memory_space<semaphore_mem>>
      %dma_start3A = tpu.memref_slice %arg3[%mul3A_2] : memref<81920xi32, #tpu.memory_space<hbm>> -> memref<2560xi32, #tpu.memory_space<hbm>>
      %dma_start3A_14 = tpu.memref_slice %arg3[%mul3A_2] : memref<81920xi32, #tpu.memory_space<hbm>> -> memref<2560xi32, #tpu.memory_space<hbm>>
      tpu.enqueue_dma source(%dma_start3A_14 : memref<2560xi32, #tpu.memory_space<hbm>>) target(%arg6 : memref<2560xi32, #tpu.memory_space<vmem>>) target_semaphore(%run_scoped3A : memref<!tpu.dma_semaphore, #tpu.memory_space<semaphore_mem>>)
      %dma_wait3A = tpu.memref_slice %arg3[%mul3A_2] : memref<81920xi32, #tpu.memory_space<hbm>> -> memref<2560xi32, #tpu.memory_space<hbm>>
      %dma_wait3A_15 = tpu.memref_slice %arg3[%mul3A_2] : memref<81920xi32, #tpu.memory_space<hbm>> -> memref<2560xi32, #tpu.memory_space<hbm>>
      tpu.wait_dma2 semaphore(%run_scoped3A : memref<!tpu.dma_semaphore, #tpu.memory_space<semaphore_mem>>) src(%dma_wait3A_15 : memref<2560xi32, #tpu.memory_space<hbm>>) dst(%arg6 : memref<2560xi32, #tpu.memory_space<vmem>>)
      tpu.yield
    }) : () -> ()
    "tpu.region"() ({
      %run_scoped3A = tpu.sem_alloc : memref<!tpu.dma_semaphore, #tpu.memory_space<semaphore_mem>>
      %dma_start3A = tpu.memref_slice %arg5[%mul3A_2] : memref<81920xi32, #tpu.memory_space<hbm>> -> memref<2560xi32, #tpu.memory_space<hbm>>
      %dma_start3A_14 = tpu.memref_slice %arg5[%mul3A_2] : memref<81920xi32, #tpu.memory_space<hbm>> -> memref<2560xi32, #tpu.memory_space<hbm>>
      tpu.enqueue_dma source(%arg6 : memref<2560xi32, #tpu.memory_space<vmem>>) target(%dma_start3A_14 : memref<2560xi32, #tpu.memory_space<hbm>>) target_semaphore(%run_scoped3A : memref<!tpu.dma_semaphore, #tpu.memory_space<semaphore_mem>>)
      %dma_wait3A = tpu.memref_slice %arg5[%mul3A_2] : memref<81920xi32, #tpu.memory_space<hbm>> -> memref<2560xi32, #tpu.memory_space<hbm>>
      %dma_wait3A_15 = tpu.memref_slice %arg5[%mul3A_2] : memref<81920xi32, #tpu.memory_space<hbm>> -> memref<2560xi32, #tpu.memory_space<hbm>>
      tpu.wait_dma2 semaphore(%run_scoped3A : memref<!tpu.dma_semaphore, #tpu.memory_space<semaphore_mem>>) src(%arg6 : memref<2560xi32, #tpu.memory_space<vmem>>) dst(%dma_wait3A_15 : memref<2560xi32, #tpu.memory_space<hbm>>)
      tpu.yield
    }) : () -> ()
    %scan3A = arith.constant 0 : i32
    %scan3A_3 = arith.constant 0 : i32
    %scan3A_4 = arith.constant 20 : i32
    %scan3A_5 = arith.addi %scan3A_3, %scan3A_4 : i32
    %scan3A_6 = arith.constant 1 : i32
    scf.for %scan3A_14 = %scan3A_3 to %scan3A_5 step %scan3A_6  : i32 {
      %mul3A_15 = arith.constant 128 : i32
      %mul3A_16 = arith.muli %scan3A_14, %mul3A_15 : i32
      %dma_start3A = tpu.memref_slice %arg7[%mul3A_16] : memref<2560xf32, #tpu.memory_space<vmem>> -> memref<128xf32, #tpu.memory_space<vmem>>
      %dma_start3A_17 = tpu.memref_slice %arg6[%mul3A_16] : memref<2560xi32, #tpu.memory_space<vmem>> -> memref<128xi32, #tpu.memory_space<vmem>>
      %dma_start3A_18 = arith.constant 0 : i32
      %dma_start3A_19 = tpu.memref_slice %arg2[%dma_start3A_18] : memref<4096000xf32, #tpu.memory_space<hbm>> -> memref<4096000xf32, #tpu.memory_space<hbm>>
      tpu.enqueue_indirect_dma source(%dma_start3A_19 : memref<4096000xf32, #tpu.memory_space<hbm>>) target(%dma_start3A : memref<128xf32, #tpu.memory_space<vmem>>) offsets(%dma_start3A_17 : memref<128xi32, #tpu.memory_space<vmem>>) semaphore(%arg8 : memref<!tpu.dma_semaphore, #tpu.memory_space<semaphore_mem>>)
    }
    %scan3A_7 = arith.constant 20 : i32
    %scan3A_8 = arith.constant 0 : i32
    %scan3A_9 = arith.constant 0 : i32
    %scan3A_10 = arith.constant 20 : i32
    %scan3A_11 = arith.addi %scan3A_9, %scan3A_10 : i32
    %scan3A_12 = arith.constant 1 : i32
    scf.for %scan3A_14 = %scan3A_9 to %scan3A_11 step %scan3A_12  : i32 {
      %mul3A_15 = arith.constant 128 : i32
      %mul3A_16 = arith.muli %scan3A_14, %mul3A_15 : i32
      %dma_wait3A = tpu.memref_slice %arg7[%mul3A_16] : memref<2560xf32, #tpu.memory_space<vmem>> -> memref<128xf32, #tpu.memory_space<vmem>>
      %dma_wait3A_17 = tpu.memref_slice %arg6[%mul3A_16] : memref<2560xi32, #tpu.memory_space<vmem>> -> memref<128xi32, #tpu.memory_space<vmem>>
      %dma_wait3A_18 = arith.constant 0 : i32
      %dma_wait3A_19 = tpu.memref_slice %arg2[%dma_wait3A_18] : memref<4096000xf32, #tpu.memory_space<hbm>> -> memref<4096000xf32, #tpu.memory_space<hbm>>
      tpu.wait_indirect_dma semaphore(%arg8 : memref<!tpu.dma_semaphore, #tpu.memory_space<semaphore_mem>>) src(%dma_wait3A_19 : memref<4096000xf32, #tpu.memory_space<hbm>>) dst(%dma_wait3A : memref<128xf32, #tpu.memory_space<vmem>>)
    }
    %scan3A_13 = arith.constant 20 : i32
    "tpu.region"() ({
      %run_scoped3A = tpu.sem_alloc : memref<!tpu.dma_semaphore, #tpu.memory_space<semaphore_mem>>
      %dma_start3A = tpu.memref_slice %arg4[%mul3A_2] : memref<81920xf32, #tpu.memory_space<hbm>> -> memref<2560xf32, #tpu.memory_space<hbm>>
      %dma_start3A_14 = tpu.memref_slice %arg4[%mul3A_2] : memref<81920xf32, #tpu.memory_space<hbm>> -> memref<2560xf32, #tpu.memory_space<hbm>>
      tpu.enqueue_dma source(%arg7 : memref<2560xf32, #tpu.memory_space<vmem>>) target(%dma_start3A_14 : memref<2560xf32, #tpu.memory_space<hbm>>) target_semaphore(%run_scoped3A : memref<!tpu.dma_semaphore, #tpu.memory_space<semaphore_mem>>)
      %dma_wait3A = tpu.memref_slice %arg4[%mul3A_2] : memref<81920xf32, #tpu.memory_space<hbm>> -> memref<2560xf32, #tpu.memory_space<hbm>>
      %dma_wait3A_15 = tpu.memref_slice %arg4[%mul3A_2] : memref<81920xf32, #tpu.memory_space<hbm>> -> memref<2560xf32, #tpu.memory_space<hbm>>
      tpu.wait_dma2 semaphore(%run_scoped3A : memref<!tpu.dma_semaphore, #tpu.memory_space<semaphore_mem>>) src(%arg7 : memref<2560xf32, #tpu.memory_space<vmem>>) dst(%dma_wait3A_15 : memref<2560xf32, #tpu.memory_space<hbm>>)
      tpu.yield
    }) : () -> ()
    return
  }
}

module attributes {stable_mosaic.version = 14 : i64} {
  func.func @_tc_dense_body(%arg0: i32, %arg1: memref<200x4096xf32, #tpu.memory_space<vmem>>, %arg2: memref<1x1xf32, #tpu.memory_space<smem>>, %arg3: memref<1xf32, #tpu.memory_space<smem>>) attributes {dimension_semantics = [#tpu.dimension_semantics<arbitrary>], iteration_bounds = array<i64: 5>, scalar_prefetch = 0 : i64, scratch_operands = 1 : i64, tpu.core_type = #tpu.core_type<tc>, window_params = [{transform_indices = @transform_0, window_bounds = array<i64: 200, 4096>}, {transform_indices = @transform_1, window_bounds = array<i64: 1, 1>}]} {
    %get3A = arith.constant 0 : index
    %get3A_0 = arith.constant 0 : index
    %get3A_1 = vector.load %arg1[%get3A, %get3A_0] : memref<200x4096xf32, #tpu.memory_space<vmem>>, vector<200x4096xf32>
    %jit3A = arith.constant 9.99999993E-9 : f32
    %jit3A_2 = arith.constant 1.000000e+00 : f32
    %max3A = vector.broadcast %jit3A : f32 to vector<200x4096xf32>
    %max3A_3 = arith.maximumf %max3A, %get3A_1 : vector<200x4096xf32>
    %min3A = vector.broadcast %jit3A_2 : f32 to vector<200x4096xf32>
    %min3A_4 = arith.minimumf %min3A, %max3A_3 : vector<200x4096xf32>
    %sub3A = arith.constant 1.000000e+00 : f32
    %sub3A_5 = vector.broadcast %sub3A : f32 to vector<200x4096xf32>
    %sub3A_6 = arith.subf %sub3A_5, %min3A_4 : vector<200x4096xf32>
    %log3A = math.log %sub3A_6 : vector<200x4096xf32>
    %reduce_sum3A = vector.shape_cast %log3A : vector<200x4096xf32> to vector<1x200x4096xf32>
    %reduce_sum3A_7 = arith.constant dense<0.000000e+00> : vector<1xf32>
    %reduce_sum3A_8 = vector.multi_reduction <add>, %reduce_sum3A, %reduce_sum3A_7 [1, 2] : vector<1x200x4096xf32> to vector<1xf32>
    %reduce_sum3A_9 = vector.shape_cast %reduce_sum3A_8 : vector<1xf32> to vector<1x1x1xf32>
    %reduce_sum3A_10 = vector.extract %reduce_sum3A_9[0, 0, 0] : f32 from vector<1x1x1xf32>
    %eq3A = arith.constant 0 : i32
    %eq3A_11 = arith.cmpi eq, %arg0, %eq3A : i32
    %convert_element_type3A = arith.extui %eq3A_11 : i1 to i32
    %cond3A = arith.constant 0 : i32
    %cond3A_12 = arith.cmpi ne, %convert_element_type3A, %cond3A : i32
    scf.if %cond3A_12 {
      %swap3A_22 = arith.constant 0.000000e+00 : f32
      %swap3A_23 = arith.constant 0 : index
      %swap3A_24 = memref.load %arg3[%swap3A_23] : memref<1xf32, #tpu.memory_space<smem>>
      memref.store %swap3A_22, %arg3[%swap3A_23] : memref<1xf32, #tpu.memory_space<smem>>
    } else {
    }
    %get3A_13 = arith.constant 0 : index
    %get3A_14 = memref.load %arg3[%get3A_13] : memref<1xf32, #tpu.memory_space<smem>>
    %neg3A = arith.constant 0.000000e+00 : f32
    %neg3A_15 = arith.subf %neg3A, %reduce_sum3A_10 : f32
    %add3A = arith.addf %get3A_14, %neg3A_15 : f32
    %swap3A = arith.constant 0 : index
    %swap3A_16 = memref.load %arg3[%swap3A] : memref<1xf32, #tpu.memory_space<smem>>
    memref.store %add3A, %arg3[%swap3A] : memref<1xf32, #tpu.memory_space<smem>>
    %eq3A_17 = arith.constant 4 : i32
    %eq3A_18 = arith.cmpi eq, %arg0, %eq3A_17 : i32
    %convert_element_type3A_19 = arith.extui %eq3A_18 : i1 to i32
    %cond3A_20 = arith.constant 0 : i32
    %cond3A_21 = arith.cmpi ne, %convert_element_type3A_19, %cond3A_20 : i32
    scf.if %cond3A_21 {
      %get3A_22 = arith.constant 0 : index
      %get3A_23 = memref.load %arg3[%get3A_22] : memref<1xf32, #tpu.memory_space<smem>>
      %swap3A_24 = arith.constant 0 : index
      %swap3A_25 = arith.constant 0 : index
      %swap3A_26 = memref.load %arg2[%swap3A_24, %swap3A_25] : memref<1x1xf32, #tpu.memory_space<smem>>
      memref.store %get3A_23, %arg2[%swap3A_24, %swap3A_25] : memref<1x1xf32, #tpu.memory_space<smem>>
    } else {
    }
    return
  }
  func.func @transform_0(%arg0: i32) -> (i32, i32) {
    %c0_i32 = arith.constant 0 : i32
    %c0_i32_0 = arith.constant 0 : i32
    return %arg0, %c0_i32 : i32, i32
  }
  func.func @transform_1(%arg0: i32) -> (i32, i32) {
    %c0_i32 = arith.constant 0 : i32
    %c0_i32_0 = arith.constant 0 : i32
    %c0_i32_1 = arith.constant 0 : i32
    return %c0_i32, %c0_i32_0 : i32, i32
  }
}

module attributes {stable_mosaic.version = 14 : i64} {
  func.func @_tc_corr_body(%arg0: memref<640x128xi32, #tpu.memory_space<vmem>>, %arg1: memref<640x128xf32, #tpu.memory_space<vmem>>, %arg2: memref<1x1xf32, #tpu.memory_space<smem>>, %arg3: memref<1x1xf32, #tpu.memory_space<smem>>) attributes {dimension_semantics = [], scalar_prefetch = 0 : i64, scratch_operands = 0 : i64, tpu.core_type = #tpu.core_type<tc>} {
    %get3A = arith.constant 0 : index
    %get3A_0 = arith.constant 0 : index
    %get3A_1 = vector.load %arg0[%get3A, %get3A_0] : memref<640x128xi32, #tpu.memory_space<vmem>>, vector<32x128xi32>
    %get3A_2 = arith.constant 32 : index
    %get3A_3 = arith.constant 0 : index
    %get3A_4 = vector.load %arg0[%get3A_2, %get3A_3] : memref<640x128xi32, #tpu.memory_space<vmem>>, vector<32x128xi32>
    %get3A_5 = arith.constant 64 : index
    %get3A_6 = arith.constant 0 : index
    %get3A_7 = vector.load %arg0[%get3A_5, %get3A_6] : memref<640x128xi32, #tpu.memory_space<vmem>>, vector<32x128xi32>
    %get3A_8 = arith.constant 96 : index
    %get3A_9 = arith.constant 0 : index
    %get3A_10 = vector.load %arg0[%get3A_8, %get3A_9] : memref<640x128xi32, #tpu.memory_space<vmem>>, vector<32x128xi32>
    %get3A_11 = arith.constant 128 : index
    %get3A_12 = arith.constant 0 : index
    %get3A_13 = vector.load %arg0[%get3A_11, %get3A_12] : memref<640x128xi32, #tpu.memory_space<vmem>>, vector<32x128xi32>
    %get3A_14 = arith.constant 160 : index
    %get3A_15 = arith.constant 0 : index
    %get3A_16 = vector.load %arg0[%get3A_14, %get3A_15] : memref<640x128xi32, #tpu.memory_space<vmem>>, vector<32x128xi32>
    %get3A_17 = arith.constant 192 : index
    %get3A_18 = arith.constant 0 : index
    %get3A_19 = vector.load %arg0[%get3A_17, %get3A_18] : memref<640x128xi32, #tpu.memory_space<vmem>>, vector<32x128xi32>
    %get3A_20 = arith.constant 224 : index
    %get3A_21 = arith.constant 0 : index
    %get3A_22 = vector.load %arg0[%get3A_20, %get3A_21] : memref<640x128xi32, #tpu.memory_space<vmem>>, vector<32x128xi32>
    %get3A_23 = arith.constant 256 : index
    %get3A_24 = arith.constant 0 : index
    %get3A_25 = vector.load %arg0[%get3A_23, %get3A_24] : memref<640x128xi32, #tpu.memory_space<vmem>>, vector<32x128xi32>
    %get3A_26 = arith.constant 288 : index
    %get3A_27 = arith.constant 0 : index
    %get3A_28 = vector.load %arg0[%get3A_26, %get3A_27] : memref<640x128xi32, #tpu.memory_space<vmem>>, vector<32x128xi32>
    %get3A_29 = arith.constant 320 : index
    %get3A_30 = arith.constant 0 : index
    %get3A_31 = vector.load %arg0[%get3A_29, %get3A_30] : memref<640x128xi32, #tpu.memory_space<vmem>>, vector<32x128xi32>
    %get3A_32 = arith.constant 352 : index
    %get3A_33 = arith.constant 0 : index
    %get3A_34 = vector.load %arg0[%get3A_32, %get3A_33] : memref<640x128xi32, #tpu.memory_space<vmem>>, vector<32x128xi32>
    %get3A_35 = arith.constant 384 : index
    %get3A_36 = arith.constant 0 : index
    %get3A_37 = vector.load %arg0[%get3A_35, %get3A_36] : memref<640x128xi32, #tpu.memory_space<vmem>>, vector<32x128xi32>
    %get3A_38 = arith.constant 416 : index
    %get3A_39 = arith.constant 0 : index
    %get3A_40 = vector.load %arg0[%get3A_38, %get3A_39] : memref<640x128xi32, #tpu.memory_space<vmem>>, vector<32x128xi32>
    %get3A_41 = arith.constant 448 : index
    %get3A_42 = arith.constant 0 : index
    %get3A_43 = vector.load %arg0[%get3A_41, %get3A_42] : memref<640x128xi32, #tpu.memory_space<vmem>>, vector<32x128xi32>
    %get3A_44 = arith.constant 480 : index
    %get3A_45 = arith.constant 0 : index
    %get3A_46 = vector.load %arg0[%get3A_44, %get3A_45] : memref<640x128xi32, #tpu.memory_space<vmem>>, vector<32x128xi32>
    %get3A_47 = arith.constant 512 : index
    %get3A_48 = arith.constant 0 : index
    %get3A_49 = vector.load %arg0[%get3A_47, %get3A_48] : memref<640x128xi32, #tpu.memory_space<vmem>>, vector<32x128xi32>
    %get3A_50 = arith.constant 544 : index
    %get3A_51 = arith.constant 0 : index
    %get3A_52 = vector.load %arg0[%get3A_50, %get3A_51] : memref<640x128xi32, #tpu.memory_space<vmem>>, vector<32x128xi32>
    %get3A_53 = arith.constant 576 : index
    %get3A_54 = arith.constant 0 : index
    %get3A_55 = vector.load %arg0[%get3A_53, %get3A_54] : memref<640x128xi32, #tpu.memory_space<vmem>>, vector<32x128xi32>
    %get3A_56 = arith.constant 608 : index
    %get3A_57 = arith.constant 0 : index
    %get3A_58 = vector.load %arg0[%get3A_56, %get3A_57] : memref<640x128xi32, #tpu.memory_space<vmem>>, vector<32x128xi32>
    %get3A_59 = arith.constant 0 : index
    %get3A_60 = arith.constant 0 : index
    %get3A_61 = vector.load %arg1[%get3A_59, %get3A_60] : memref<640x128xf32, #tpu.memory_space<vmem>>, vector<32x128xf32>
    %jit3A = arith.constant 9.99999993E-9 : f32
    %jit3A_62 = arith.constant 1.000000e+00 : f32
    %max3A = vector.broadcast %jit3A : f32 to vector<32x128xf32>
    %max3A_63 = arith.maximumf %max3A, %get3A_61 : vector<32x128xf32>
    %min3A = vector.broadcast %jit3A_62 : f32 to vector<32x128xf32>
    %min3A_64 = arith.minimumf %min3A, %max3A_63 : vector<32x128xf32>
    %sub3A = arith.constant 1.000000e+00 : f32
    %sub3A_65 = vector.broadcast %sub3A : f32 to vector<32x128xf32>
    %sub3A_66 = arith.subf %sub3A_65, %min3A_64 : vector<32x128xf32>
    %log3A = math.log %sub3A_66 : vector<32x128xf32>
    %log3A_67 = math.log %min3A_64 : vector<32x128xf32>
    %sub3A_68 = arith.subf %log3A, %log3A_67 : vector<32x128xf32>
    %get3A_69 = arith.constant 32 : index
    %get3A_70 = arith.constant 0 : index
    %get3A_71 = vector.load %arg1[%get3A_69, %get3A_70] : memref<640x128xf32, #tpu.memory_space<vmem>>, vector<32x128xf32>
    %jit3A_72 = arith.constant 9.99999993E-9 : f32
    %jit3A_73 = arith.constant 1.000000e+00 : f32
    %max3A_74 = vector.broadcast %jit3A_72 : f32 to vector<32x128xf32>
    %max3A_75 = arith.maximumf %max3A_74, %get3A_71 : vector<32x128xf32>
    %min3A_76 = vector.broadcast %jit3A_73 : f32 to vector<32x128xf32>
    %min3A_77 = arith.minimumf %min3A_76, %max3A_75 : vector<32x128xf32>
    %sub3A_78 = arith.constant 1.000000e+00 : f32
    %sub3A_79 = vector.broadcast %sub3A_78 : f32 to vector<32x128xf32>
    %sub3A_80 = arith.subf %sub3A_79, %min3A_77 : vector<32x128xf32>
    %log3A_81 = math.log %sub3A_80 : vector<32x128xf32>
    %log3A_82 = math.log %min3A_77 : vector<32x128xf32>
    %sub3A_83 = arith.subf %log3A_81, %log3A_82 : vector<32x128xf32>
    %eq3A = arith.cmpi eq, %get3A_4, %get3A_1 : vector<32x128xi32>
    %jit3A_84 = arith.constant 0.000000e+00 : f32
    %broadcast_in_dim3A = vector.broadcast %jit3A_84 : f32 to vector<32x128xf32>
    %select_n3A = arith.select %eq3A, %broadcast_in_dim3A, %sub3A_83 : vector<32x128xi1>, vector<32x128xf32>
    %add3A = arith.addf %sub3A_68, %select_n3A : vector<32x128xf32>
    %get3A_85 = arith.constant 64 : index
    %get3A_86 = arith.constant 0 : index
    %get3A_87 = vector.load %arg1[%get3A_85, %get3A_86] : memref<640x128xf32, #tpu.memory_space<vmem>>, vector<32x128xf32>
    %jit3A_88 = arith.constant 9.99999993E-9 : f32
    %jit3A_89 = arith.constant 1.000000e+00 : f32
    %max3A_90 = vector.broadcast %jit3A_88 : f32 to vector<32x128xf32>
    %max3A_91 = arith.maximumf %max3A_90, %get3A_87 : vector<32x128xf32>
    %min3A_92 = vector.broadcast %jit3A_89 : f32 to vector<32x128xf32>
    %min3A_93 = arith.minimumf %min3A_92, %max3A_91 : vector<32x128xf32>
    %sub3A_94 = arith.constant 1.000000e+00 : f32
    %sub3A_95 = vector.broadcast %sub3A_94 : f32 to vector<32x128xf32>
    %sub3A_96 = arith.subf %sub3A_95, %min3A_93 : vector<32x128xf32>
    %log3A_97 = math.log %sub3A_96 : vector<32x128xf32>
    %log3A_98 = math.log %min3A_93 : vector<32x128xf32>
    %sub3A_99 = arith.subf %log3A_97, %log3A_98 : vector<32x128xf32>
    %eq3A_100 = arith.cmpi eq, %get3A_7, %get3A_1 : vector<32x128xi32>
    %eq3A_101 = arith.cmpi eq, %get3A_7, %get3A_4 : vector<32x128xi32>
    %or3A = arith.ori %eq3A_100, %eq3A_101 : vector<32x128xi1>
    %jit3A_102 = arith.constant 0.000000e+00 : f32
    %broadcast_in_dim3A_103 = vector.broadcast %jit3A_102 : f32 to vector<32x128xf32>
    %select_n3A_104 = arith.select %or3A, %broadcast_in_dim3A_103, %sub3A_99 : vector<32x128xi1>, vector<32x128xf32>
    %add3A_105 = arith.addf %add3A, %select_n3A_104 : vector<32x128xf32>
    %get3A_106 = arith.constant 96 : index
    %get3A_107 = arith.constant 0 : index
    %get3A_108 = vector.load %arg1[%get3A_106, %get3A_107] : memref<640x128xf32, #tpu.memory_space<vmem>>, vector<32x128xf32>
    %jit3A_109 = arith.constant 9.99999993E-9 : f32
    %jit3A_110 = arith.constant 1.000000e+00 : f32
    %max3A_111 = vector.broadcast %jit3A_109 : f32 to vector<32x128xf32>
    %max3A_112 = arith.maximumf %max3A_111, %get3A_108 : vector<32x128xf32>
    %min3A_113 = vector.broadcast %jit3A_110 : f32 to vector<32x128xf32>
    %min3A_114 = arith.minimumf %min3A_113, %max3A_112 : vector<32x128xf32>
    %sub3A_115 = arith.constant 1.000000e+00 : f32
    %sub3A_116 = vector.broadcast %sub3A_115 : f32 to vector<32x128xf32>
    %sub3A_117 = arith.subf %sub3A_116, %min3A_114 : vector<32x128xf32>
    %log3A_118 = math.log %sub3A_117 : vector<32x128xf32>
    %log3A_119 = math.log %min3A_114 : vector<32x128xf32>
    %sub3A_120 = arith.subf %log3A_118, %log3A_119 : vector<32x128xf32>
    %eq3A_121 = arith.cmpi eq, %get3A_10, %get3A_1 : vector<32x128xi32>
    %eq3A_122 = arith.cmpi eq, %get3A_10, %get3A_4 : vector<32x128xi32>
    %or3A_123 = arith.ori %eq3A_121, %eq3A_122 : vector<32x128xi1>
    %eq3A_124 = arith.cmpi eq, %get3A_10, %get3A_7 : vector<32x128xi32>
    %or3A_125 = arith.ori %or3A_123, %eq3A_124 : vector<32x128xi1>
    %jit3A_126 = arith.constant 0.000000e+00 : f32
    %broadcast_in_dim3A_127 = vector.broadcast %jit3A_126 : f32 to vector<32x128xf32>
    %select_n3A_128 = arith.select %or3A_125, %broadcast_in_dim3A_127, %sub3A_120 : vector<32x128xi1>, vector<32x128xf32>
    %add3A_129 = arith.addf %add3A_105, %select_n3A_128 : vector<32x128xf32>
    %get3A_130 = arith.constant 128 : index
    %get3A_131 = arith.constant 0 : index
    %get3A_132 = vector.load %arg1[%get3A_130, %get3A_131] : memref<640x128xf32, #tpu.memory_space<vmem>>, vector<32x128xf32>
    %jit3A_133 = arith.constant 9.99999993E-9 : f32
    %jit3A_134 = arith.constant 1.000000e+00 : f32
    %max3A_135 = vector.broadcast %jit3A_133 : f32 to vector<32x128xf32>
    %max3A_136 = arith.maximumf %max3A_135, %get3A_132 : vector<32x128xf32>
    %min3A_137 = vector.broadcast %jit3A_134 : f32 to vector<32x128xf32>
    %min3A_138 = arith.minimumf %min3A_137, %max3A_136 : vector<32x128xf32>
    %sub3A_139 = arith.constant 1.000000e+00 : f32
    %sub3A_140 = vector.broadcast %sub3A_139 : f32 to vector<32x128xf32>
    %sub3A_141 = arith.subf %sub3A_140, %min3A_138 : vector<32x128xf32>
    %log3A_142 = math.log %sub3A_141 : vector<32x128xf32>
    %log3A_143 = math.log %min3A_138 : vector<32x128xf32>
    %sub3A_144 = arith.subf %log3A_142, %log3A_143 : vector<32x128xf32>
    %eq3A_145 = arith.cmpi eq, %get3A_13, %get3A_1 : vector<32x128xi32>
    %eq3A_146 = arith.cmpi eq, %get3A_13, %get3A_4 : vector<32x128xi32>
    %or3A_147 = arith.ori %eq3A_145, %eq3A_146 : vector<32x128xi1>
    %eq3A_148 = arith.cmpi eq, %get3A_13, %get3A_7 : vector<32x128xi32>
    %or3A_149 = arith.ori %or3A_147, %eq3A_148 : vector<32x128xi1>
    %eq3A_150 = arith.cmpi eq, %get3A_13, %get3A_10 : vector<32x128xi32>
    %or3A_151 = arith.ori %or3A_149, %eq3A_150 : vector<32x128xi1>
    %jit3A_152 = arith.constant 0.000000e+00 : f32
    %broadcast_in_dim3A_153 = vector.broadcast %jit3A_152 : f32 to vector<32x128xf32>
    %select_n3A_154 = arith.select %or3A_151, %broadcast_in_dim3A_153, %sub3A_144 : vector<32x128xi1>, vector<32x128xf32>
    %add3A_155 = arith.addf %add3A_129, %select_n3A_154 : vector<32x128xf32>
    %get3A_156 = arith.constant 160 : index
    %get3A_157 = arith.constant 0 : index
    %get3A_158 = vector.load %arg1[%get3A_156, %get3A_157] : memref<640x128xf32, #tpu.memory_space<vmem>>, vector<32x128xf32>
    %jit3A_159 = arith.constant 9.99999993E-9 : f32
    %jit3A_160 = arith.constant 1.000000e+00 : f32
    %max3A_161 = vector.broadcast %jit3A_159 : f32 to vector<32x128xf32>
    %max3A_162 = arith.maximumf %max3A_161, %get3A_158 : vector<32x128xf32>
    %min3A_163 = vector.broadcast %jit3A_160 : f32 to vector<32x128xf32>
    %min3A_164 = arith.minimumf %min3A_163, %max3A_162 : vector<32x128xf32>
    %sub3A_165 = arith.constant 1.000000e+00 : f32
    %sub3A_166 = vector.broadcast %sub3A_165 : f32 to vector<32x128xf32>
    %sub3A_167 = arith.subf %sub3A_166, %min3A_164 : vector<32x128xf32>
    %log3A_168 = math.log %sub3A_167 : vector<32x128xf32>
    %log3A_169 = math.log %min3A_164 : vector<32x128xf32>
    %sub3A_170 = arith.subf %log3A_168, %log3A_169 : vector<32x128xf32>
    %eq3A_171 = arith.cmpi eq, %get3A_16, %get3A_1 : vector<32x128xi32>
    %eq3A_172 = arith.cmpi eq, %get3A_16, %get3A_4 : vector<32x128xi32>
    %or3A_173 = arith.ori %eq3A_171, %eq3A_172 : vector<32x128xi1>
    %eq3A_174 = arith.cmpi eq, %get3A_16, %get3A_7 : vector<32x128xi32>
    %or3A_175 = arith.ori %or3A_173, %eq3A_174 : vector<32x128xi1>
    %eq3A_176 = arith.cmpi eq, %get3A_16, %get3A_10 : vector<32x128xi32>
    %or3A_177 = arith.ori %or3A_175, %eq3A_176 : vector<32x128xi1>
    %eq3A_178 = arith.cmpi eq, %get3A_16, %get3A_13 : vector<32x128xi32>
    %or3A_179 = arith.ori %or3A_177, %eq3A_178 : vector<32x128xi1>
    %jit3A_180 = arith.constant 0.000000e+00 : f32
    %broadcast_in_dim3A_181 = vector.broadcast %jit3A_180 : f32 to vector<32x128xf32>
    %select_n3A_182 = arith.select %or3A_179, %broadcast_in_dim3A_181, %sub3A_170 : vector<32x128xi1>, vector<32x128xf32>
    %add3A_183 = arith.addf %add3A_155, %select_n3A_182 : vector<32x128xf32>
    %get3A_184 = arith.constant 192 : index
    %get3A_185 = arith.constant 0 : index
    %get3A_186 = vector.load %arg1[%get3A_184, %get3A_185] : memref<640x128xf32, #tpu.memory_space<vmem>>, vector<32x128xf32>
    %jit3A_187 = arith.constant 9.99999993E-9 : f32
    %jit3A_188 = arith.constant 1.000000e+00 : f32
    %max3A_189 = vector.broadcast %jit3A_187 : f32 to vector<32x128xf32>
    %max3A_190 = arith.maximumf %max3A_189, %get3A_186 : vector<32x128xf32>
    %min3A_191 = vector.broadcast %jit3A_188 : f32 to vector<32x128xf32>
    %min3A_192 = arith.minimumf %min3A_191, %max3A_190 : vector<32x128xf32>
    %sub3A_193 = arith.constant 1.000000e+00 : f32
    %sub3A_194 = vector.broadcast %sub3A_193 : f32 to vector<32x128xf32>
    %sub3A_195 = arith.subf %sub3A_194, %min3A_192 : vector<32x128xf32>
    %log3A_196 = math.log %sub3A_195 : vector<32x128xf32>
    %log3A_197 = math.log %min3A_192 : vector<32x128xf32>
    %sub3A_198 = arith.subf %log3A_196, %log3A_197 : vector<32x128xf32>
    %eq3A_199 = arith.cmpi eq, %get3A_19, %get3A_1 : vector<32x128xi32>
    %eq3A_200 = arith.cmpi eq, %get3A_19, %get3A_4 : vector<32x128xi32>
    %or3A_201 = arith.ori %eq3A_199, %eq3A_200 : vector<32x128xi1>
    %eq3A_202 = arith.cmpi eq, %get3A_19, %get3A_7 : vector<32x128xi32>
    %or3A_203 = arith.ori %or3A_201, %eq3A_202 : vector<32x128xi1>
    %eq3A_204 = arith.cmpi eq, %get3A_19, %get3A_10 : vector<32x128xi32>
    %or3A_205 = arith.ori %or3A_203, %eq3A_204 : vector<32x128xi1>
    %eq3A_206 = arith.cmpi eq, %get3A_19, %get3A_13 : vector<32x128xi32>
    %or3A_207 = arith.ori %or3A_205, %eq3A_206 : vector<32x128xi1>
    %eq3A_208 = arith.cmpi eq, %get3A_19, %get3A_16 : vector<32x128xi32>
    %or3A_209 = arith.ori %or3A_207, %eq3A_208 : vector<32x128xi1>
    %jit3A_210 = arith.constant 0.000000e+00 : f32
    %broadcast_in_dim3A_211 = vector.broadcast %jit3A_210 : f32 to vector<32x128xf32>
    %select_n3A_212 = arith.select %or3A_209, %broadcast_in_dim3A_211, %sub3A_198 : vector<32x128xi1>, vector<32x128xf32>
    %add3A_213 = arith.addf %add3A_183, %select_n3A_212 : vector<32x128xf32>
    %get3A_214 = arith.constant 224 : index
    %get3A_215 = arith.constant 0 : index
    %get3A_216 = vector.load %arg1[%get3A_214, %get3A_215] : memref<640x128xf32, #tpu.memory_space<vmem>>, vector<32x128xf32>
    %jit3A_217 = arith.constant 9.99999993E-9 : f32
    %jit3A_218 = arith.constant 1.000000e+00 : f32
    %max3A_219 = vector.broadcast %jit3A_217 : f32 to vector<32x128xf32>
    %max3A_220 = arith.maximumf %max3A_219, %get3A_216 : vector<32x128xf32>
    %min3A_221 = vector.broadcast %jit3A_218 : f32 to vector<32x128xf32>
    %min3A_222 = arith.minimumf %min3A_221, %max3A_220 : vector<32x128xf32>
    %sub3A_223 = arith.constant 1.000000e+00 : f32
    %sub3A_224 = vector.broadcast %sub3A_223 : f32 to vector<32x128xf32>
    %sub3A_225 = arith.subf %sub3A_224, %min3A_222 : vector<32x128xf32>
    %log3A_226 = math.log %sub3A_225 : vector<32x128xf32>
    %log3A_227 = math.log %min3A_222 : vector<32x128xf32>
    %sub3A_228 = arith.subf %log3A_226, %log3A_227 : vector<32x128xf32>
    %eq3A_229 = arith.cmpi eq, %get3A_22, %get3A_1 : vector<32x128xi32>
    %eq3A_230 = arith.cmpi eq, %get3A_22, %get3A_4 : vector<32x128xi32>
    %or3A_231 = arith.ori %eq3A_229, %eq3A_230 : vector<32x128xi1>
    %eq3A_232 = arith.cmpi eq, %get3A_22, %get3A_7 : vector<32x128xi32>
    %or3A_233 = arith.ori %or3A_231, %eq3A_232 : vector<32x128xi1>
    %eq3A_234 = arith.cmpi eq, %get3A_22, %get3A_10 : vector<32x128xi32>
    %or3A_235 = arith.ori %or3A_233, %eq3A_234 : vector<32x128xi1>
    %eq3A_236 = arith.cmpi eq, %get3A_22, %get3A_13 : vector<32x128xi32>
    %or3A_237 = arith.ori %or3A_235, %eq3A_236 : vector<32x128xi1>
    %eq3A_238 = arith.cmpi eq, %get3A_22, %get3A_16 : vector<32x128xi32>
    %or3A_239 = arith.ori %or3A_237, %eq3A_238 : vector<32x128xi1>
    %eq3A_240 = arith.cmpi eq, %get3A_22, %get3A_19 : vector<32x128xi32>
    %or3A_241 = arith.ori %or3A_239, %eq3A_240 : vector<32x128xi1>
    %jit3A_242 = arith.constant 0.000000e+00 : f32
    %broadcast_in_dim3A_243 = vector.broadcast %jit3A_242 : f32 to vector<32x128xf32>
    %select_n3A_244 = arith.select %or3A_241, %broadcast_in_dim3A_243, %sub3A_228 : vector<32x128xi1>, vector<32x128xf32>
    %add3A_245 = arith.addf %add3A_213, %select_n3A_244 : vector<32x128xf32>
    %get3A_246 = arith.constant 256 : index
    %get3A_247 = arith.constant 0 : index
    %get3A_248 = vector.load %arg1[%get3A_246, %get3A_247] : memref<640x128xf32, #tpu.memory_space<vmem>>, vector<32x128xf32>
    %jit3A_249 = arith.constant 9.99999993E-9 : f32
    %jit3A_250 = arith.constant 1.000000e+00 : f32
    %max3A_251 = vector.broadcast %jit3A_249 : f32 to vector<32x128xf32>
    %max3A_252 = arith.maximumf %max3A_251, %get3A_248 : vector<32x128xf32>
    %min3A_253 = vector.broadcast %jit3A_250 : f32 to vector<32x128xf32>
    %min3A_254 = arith.minimumf %min3A_253, %max3A_252 : vector<32x128xf32>
    %sub3A_255 = arith.constant 1.000000e+00 : f32
    %sub3A_256 = vector.broadcast %sub3A_255 : f32 to vector<32x128xf32>
    %sub3A_257 = arith.subf %sub3A_256, %min3A_254 : vector<32x128xf32>
    %log3A_258 = math.log %sub3A_257 : vector<32x128xf32>
    %log3A_259 = math.log %min3A_254 : vector<32x128xf32>
    %sub3A_260 = arith.subf %log3A_258, %log3A_259 : vector<32x128xf32>
    %eq3A_261 = arith.cmpi eq, %get3A_25, %get3A_1 : vector<32x128xi32>
    %eq3A_262 = arith.cmpi eq, %get3A_25, %get3A_4 : vector<32x128xi32>
    %or3A_263 = arith.ori %eq3A_261, %eq3A_262 : vector<32x128xi1>
    %eq3A_264 = arith.cmpi eq, %get3A_25, %get3A_7 : vector<32x128xi32>
    %or3A_265 = arith.ori %or3A_263, %eq3A_264 : vector<32x128xi1>
    %eq3A_266 = arith.cmpi eq, %get3A_25, %get3A_10 : vector<32x128xi32>
    %or3A_267 = arith.ori %or3A_265, %eq3A_266 : vector<32x128xi1>
    %eq3A_268 = arith.cmpi eq, %get3A_25, %get3A_13 : vector<32x128xi32>
    %or3A_269 = arith.ori %or3A_267, %eq3A_268 : vector<32x128xi1>
    %eq3A_270 = arith.cmpi eq, %get3A_25, %get3A_16 : vector<32x128xi32>
    %or3A_271 = arith.ori %or3A_269, %eq3A_270 : vector<32x128xi1>
    %eq3A_272 = arith.cmpi eq, %get3A_25, %get3A_19 : vector<32x128xi32>
    %or3A_273 = arith.ori %or3A_271, %eq3A_272 : vector<32x128xi1>
    %eq3A_274 = arith.cmpi eq, %get3A_25, %get3A_22 : vector<32x128xi32>
    %or3A_275 = arith.ori %or3A_273, %eq3A_274 : vector<32x128xi1>
    %jit3A_276 = arith.constant 0.000000e+00 : f32
    %broadcast_in_dim3A_277 = vector.broadcast %jit3A_276 : f32 to vector<32x128xf32>
    %select_n3A_278 = arith.select %or3A_275, %broadcast_in_dim3A_277, %sub3A_260 : vector<32x128xi1>, vector<32x128xf32>
    %add3A_279 = arith.addf %add3A_245, %select_n3A_278 : vector<32x128xf32>
    %get3A_280 = arith.constant 288 : index
    %get3A_281 = arith.constant 0 : index
    %get3A_282 = vector.load %arg1[%get3A_280, %get3A_281] : memref<640x128xf32, #tpu.memory_space<vmem>>, vector<32x128xf32>
    %jit3A_283 = arith.constant 9.99999993E-9 : f32
    %jit3A_284 = arith.constant 1.000000e+00 : f32
    %max3A_285 = vector.broadcast %jit3A_283 : f32 to vector<32x128xf32>
    %max3A_286 = arith.maximumf %max3A_285, %get3A_282 : vector<32x128xf32>
    %min3A_287 = vector.broadcast %jit3A_284 : f32 to vector<32x128xf32>
    %min3A_288 = arith.minimumf %min3A_287, %max3A_286 : vector<32x128xf32>
    %sub3A_289 = arith.constant 1.000000e+00 : f32
    %sub3A_290 = vector.broadcast %sub3A_289 : f32 to vector<32x128xf32>
    %sub3A_291 = arith.subf %sub3A_290, %min3A_288 : vector<32x128xf32>
    %log3A_292 = math.log %sub3A_291 : vector<32x128xf32>
    %log3A_293 = math.log %min3A_288 : vector<32x128xf32>
    %sub3A_294 = arith.subf %log3A_292, %log3A_293 : vector<32x128xf32>
    %eq3A_295 = arith.cmpi eq, %get3A_28, %get3A_1 : vector<32x128xi32>
    %eq3A_296 = arith.cmpi eq, %get3A_28, %get3A_4 : vector<32x128xi32>
    %or3A_297 = arith.ori %eq3A_295, %eq3A_296 : vector<32x128xi1>
    %eq3A_298 = arith.cmpi eq, %get3A_28, %get3A_7 : vector<32x128xi32>
    %or3A_299 = arith.ori %or3A_297, %eq3A_298 : vector<32x128xi1>
    %eq3A_300 = arith.cmpi eq, %get3A_28, %get3A_10 : vector<32x128xi32>
    %or3A_301 = arith.ori %or3A_299, %eq3A_300 : vector<32x128xi1>
    %eq3A_302 = arith.cmpi eq, %get3A_28, %get3A_13 : vector<32x128xi32>
    %or3A_303 = arith.ori %or3A_301, %eq3A_302 : vector<32x128xi1>
    %eq3A_304 = arith.cmpi eq, %get3A_28, %get3A_16 : vector<32x128xi32>
    %or3A_305 = arith.ori %or3A_303, %eq3A_304 : vector<32x128xi1>
    %eq3A_306 = arith.cmpi eq, %get3A_28, %get3A_19 : vector<32x128xi32>
    %or3A_307 = arith.ori %or3A_305, %eq3A_306 : vector<32x128xi1>
    %eq3A_308 = arith.cmpi eq, %get3A_28, %get3A_22 : vector<32x128xi32>
    %or3A_309 = arith.ori %or3A_307, %eq3A_308 : vector<32x128xi1>
    %eq3A_310 = arith.cmpi eq, %get3A_28, %get3A_25 : vector<32x128xi32>
    %or3A_311 = arith.ori %or3A_309, %eq3A_310 : vector<32x128xi1>
    %jit3A_312 = arith.constant 0.000000e+00 : f32
    %broadcast_in_dim3A_313 = vector.broadcast %jit3A_312 : f32 to vector<32x128xf32>
    %select_n3A_314 = arith.select %or3A_311, %broadcast_in_dim3A_313, %sub3A_294 : vector<32x128xi1>, vector<32x128xf32>
    %add3A_315 = arith.addf %add3A_279, %select_n3A_314 : vector<32x128xf32>
    %get3A_316 = arith.constant 320 : index
    %get3A_317 = arith.constant 0 : index
    %get3A_318 = vector.load %arg1[%get3A_316, %get3A_317] : memref<640x128xf32, #tpu.memory_space<vmem>>, vector<32x128xf32>
    %jit3A_319 = arith.constant 9.99999993E-9 : f32
    %jit3A_320 = arith.constant 1.000000e+00 : f32
    %max3A_321 = vector.broadcast %jit3A_319 : f32 to vector<32x128xf32>
    %max3A_322 = arith.maximumf %max3A_321, %get3A_318 : vector<32x128xf32>
    %min3A_323 = vector.broadcast %jit3A_320 : f32 to vector<32x128xf32>
    %min3A_324 = arith.minimumf %min3A_323, %max3A_322 : vector<32x128xf32>
    %sub3A_325 = arith.constant 1.000000e+00 : f32
    %sub3A_326 = vector.broadcast %sub3A_325 : f32 to vector<32x128xf32>
    %sub3A_327 = arith.subf %sub3A_326, %min3A_324 : vector<32x128xf32>
    %log3A_328 = math.log %sub3A_327 : vector<32x128xf32>
    %log3A_329 = math.log %min3A_324 : vector<32x128xf32>
    %sub3A_330 = arith.subf %log3A_328, %log3A_329 : vector<32x128xf32>
    %eq3A_331 = arith.cmpi eq, %get3A_31, %get3A_1 : vector<32x128xi32>
    %eq3A_332 = arith.cmpi eq, %get3A_31, %get3A_4 : vector<32x128xi32>
    %or3A_333 = arith.ori %eq3A_331, %eq3A_332 : vector<32x128xi1>
    %eq3A_334 = arith.cmpi eq, %get3A_31, %get3A_7 : vector<32x128xi32>
    %or3A_335 = arith.ori %or3A_333, %eq3A_334 : vector<32x128xi1>
    %eq3A_336 = arith.cmpi eq, %get3A_31, %get3A_10 : vector<32x128xi32>
    %or3A_337 = arith.ori %or3A_335, %eq3A_336 : vector<32x128xi1>
    %eq3A_338 = arith.cmpi eq, %get3A_31, %get3A_13 : vector<32x128xi32>
    %or3A_339 = arith.ori %or3A_337, %eq3A_338 : vector<32x128xi1>
    %eq3A_340 = arith.cmpi eq, %get3A_31, %get3A_16 : vector<32x128xi32>
    %or3A_341 = arith.ori %or3A_339, %eq3A_340 : vector<32x128xi1>
    %eq3A_342 = arith.cmpi eq, %get3A_31, %get3A_19 : vector<32x128xi32>
    %or3A_343 = arith.ori %or3A_341, %eq3A_342 : vector<32x128xi1>
    %eq3A_344 = arith.cmpi eq, %get3A_31, %get3A_22 : vector<32x128xi32>
    %or3A_345 = arith.ori %or3A_343, %eq3A_344 : vector<32x128xi1>
    %eq3A_346 = arith.cmpi eq, %get3A_31, %get3A_25 : vector<32x128xi32>
    %or3A_347 = arith.ori %or3A_345, %eq3A_346 : vector<32x128xi1>
    %eq3A_348 = arith.cmpi eq, %get3A_31, %get3A_28 : vector<32x128xi32>
    %or3A_349 = arith.ori %or3A_347, %eq3A_348 : vector<32x128xi1>
    %jit3A_350 = arith.constant 0.000000e+00 : f32
    %broadcast_in_dim3A_351 = vector.broadcast %jit3A_350 : f32 to vector<32x128xf32>
    %select_n3A_352 = arith.select %or3A_349, %broadcast_in_dim3A_351, %sub3A_330 : vector<32x128xi1>, vector<32x128xf32>
    %add3A_353 = arith.addf %add3A_315, %select_n3A_352 : vector<32x128xf32>
    %get3A_354 = arith.constant 352 : index
    %get3A_355 = arith.constant 0 : index
    %get3A_356 = vector.load %arg1[%get3A_354, %get3A_355] : memref<640x128xf32, #tpu.memory_space<vmem>>, vector<32x128xf32>
    %jit3A_357 = arith.constant 9.99999993E-9 : f32
    %jit3A_358 = arith.constant 1.000000e+00 : f32
    %max3A_359 = vector.broadcast %jit3A_357 : f32 to vector<32x128xf32>
    %max3A_360 = arith.maximumf %max3A_359, %get3A_356 : vector<32x128xf32>
    %min3A_361 = vector.broadcast %jit3A_358 : f32 to vector<32x128xf32>
    %min3A_362 = arith.minimumf %min3A_361, %max3A_360 : vector<32x128xf32>
    %sub3A_363 = arith.constant 1.000000e+00 : f32
    %sub3A_364 = vector.broadcast %sub3A_363 : f32 to vector<32x128xf32>
    %sub3A_365 = arith.subf %sub3A_364, %min3A_362 : vector<32x128xf32>
    %log3A_366 = math.log %sub3A_365 : vector<32x128xf32>
    %log3A_367 = math.log %min3A_362 : vector<32x128xf32>
    %sub3A_368 = arith.subf %log3A_366, %log3A_367 : vector<32x128xf32>
    %eq3A_369 = arith.cmpi eq, %get3A_34, %get3A_1 : vector<32x128xi32>
    %eq3A_370 = arith.cmpi eq, %get3A_34, %get3A_4 : vector<32x128xi32>
    %or3A_371 = arith.ori %eq3A_369, %eq3A_370 : vector<32x128xi1>
    %eq3A_372 = arith.cmpi eq, %get3A_34, %get3A_7 : vector<32x128xi32>
    %or3A_373 = arith.ori %or3A_371, %eq3A_372 : vector<32x128xi1>
    %eq3A_374 = arith.cmpi eq, %get3A_34, %get3A_10 : vector<32x128xi32>
    %or3A_375 = arith.ori %or3A_373, %eq3A_374 : vector<32x128xi1>
    %eq3A_376 = arith.cmpi eq, %get3A_34, %get3A_13 : vector<32x128xi32>
    %or3A_377 = arith.ori %or3A_375, %eq3A_376 : vector<32x128xi1>
    %eq3A_378 = arith.cmpi eq, %get3A_34, %get3A_16 : vector<32x128xi32>
    %or3A_379 = arith.ori %or3A_377, %eq3A_378 : vector<32x128xi1>
    %eq3A_380 = arith.cmpi eq, %get3A_34, %get3A_19 : vector<32x128xi32>
    %or3A_381 = arith.ori %or3A_379, %eq3A_380 : vector<32x128xi1>
    %eq3A_382 = arith.cmpi eq, %get3A_34, %get3A_22 : vector<32x128xi32>
    %or3A_383 = arith.ori %or3A_381, %eq3A_382 : vector<32x128xi1>
    %eq3A_384 = arith.cmpi eq, %get3A_34, %get3A_25 : vector<32x128xi32>
    %or3A_385 = arith.ori %or3A_383, %eq3A_384 : vector<32x128xi1>
    %eq3A_386 = arith.cmpi eq, %get3A_34, %get3A_28 : vector<32x128xi32>
    %or3A_387 = arith.ori %or3A_385, %eq3A_386 : vector<32x128xi1>
    %eq3A_388 = arith.cmpi eq, %get3A_34, %get3A_31 : vector<32x128xi32>
    %or3A_389 = arith.ori %or3A_387, %eq3A_388 : vector<32x128xi1>
    %jit3A_390 = arith.constant 0.000000e+00 : f32
    %broadcast_in_dim3A_391 = vector.broadcast %jit3A_390 : f32 to vector<32x128xf32>
    %select_n3A_392 = arith.select %or3A_389, %broadcast_in_dim3A_391, %sub3A_368 : vector<32x128xi1>, vector<32x128xf32>
    %add3A_393 = arith.addf %add3A_353, %select_n3A_392 : vector<32x128xf32>
    %get3A_394 = arith.constant 384 : index
    %get3A_395 = arith.constant 0 : index
    %get3A_396 = vector.load %arg1[%get3A_394, %get3A_395] : memref<640x128xf32, #tpu.memory_space<vmem>>, vector<32x128xf32>
    %jit3A_397 = arith.constant 9.99999993E-9 : f32
    %jit3A_398 = arith.constant 1.000000e+00 : f32
    %max3A_399 = vector.broadcast %jit3A_397 : f32 to vector<32x128xf32>
    %max3A_400 = arith.maximumf %max3A_399, %get3A_396 : vector<32x128xf32>
    %min3A_401 = vector.broadcast %jit3A_398 : f32 to vector<32x128xf32>
    %min3A_402 = arith.minimumf %min3A_401, %max3A_400 : vector<32x128xf32>
    %sub3A_403 = arith.constant 1.000000e+00 : f32
    %sub3A_404 = vector.broadcast %sub3A_403 : f32 to vector<32x128xf32>
    %sub3A_405 = arith.subf %sub3A_404, %min3A_402 : vector<32x128xf32>
    %log3A_406 = math.log %sub3A_405 : vector<32x128xf32>
    %log3A_407 = math.log %min3A_402 : vector<32x128xf32>
    %sub3A_408 = arith.subf %log3A_406, %log3A_407 : vector<32x128xf32>
    %eq3A_409 = arith.cmpi eq, %get3A_37, %get3A_1 : vector<32x128xi32>
    %eq3A_410 = arith.cmpi eq, %get3A_37, %get3A_4 : vector<32x128xi32>
    %or3A_411 = arith.ori %eq3A_409, %eq3A_410 : vector<32x128xi1>
    %eq3A_412 = arith.cmpi eq, %get3A_37, %get3A_7 : vector<32x128xi32>
    %or3A_413 = arith.ori %or3A_411, %eq3A_412 : vector<32x128xi1>
    %eq3A_414 = arith.cmpi eq, %get3A_37, %get3A_10 : vector<32x128xi32>
    %or3A_415 = arith.ori %or3A_413, %eq3A_414 : vector<32x128xi1>
    %eq3A_416 = arith.cmpi eq, %get3A_37, %get3A_13 : vector<32x128xi32>
    %or3A_417 = arith.ori %or3A_415, %eq3A_416 : vector<32x128xi1>
    %eq3A_418 = arith.cmpi eq, %get3A_37, %get3A_16 : vector<32x128xi32>
    %or3A_419 = arith.ori %or3A_417, %eq3A_418 : vector<32x128xi1>
    %eq3A_420 = arith.cmpi eq, %get3A_37, %get3A_19 : vector<32x128xi32>
    %or3A_421 = arith.ori %or3A_419, %eq3A_420 : vector<32x128xi1>
    %eq3A_422 = arith.cmpi eq, %get3A_37, %get3A_22 : vector<32x128xi32>
    %or3A_423 = arith.ori %or3A_421, %eq3A_422 : vector<32x128xi1>
    %eq3A_424 = arith.cmpi eq, %get3A_37, %get3A_25 : vector<32x128xi32>
    %or3A_425 = arith.ori %or3A_423, %eq3A_424 : vector<32x128xi1>
    %eq3A_426 = arith.cmpi eq, %get3A_37, %get3A_28 : vector<32x128xi32>
    %or3A_427 = arith.ori %or3A_425, %eq3A_426 : vector<32x128xi1>
    %eq3A_428 = arith.cmpi eq, %get3A_37, %get3A_31 : vector<32x128xi32>
    %or3A_429 = arith.ori %or3A_427, %eq3A_428 : vector<32x128xi1>
    %eq3A_430 = arith.cmpi eq, %get3A_37, %get3A_34 : vector<32x128xi32>
    %or3A_431 = arith.ori %or3A_429, %eq3A_430 : vector<32x128xi1>
    %jit3A_432 = arith.constant 0.000000e+00 : f32
    %broadcast_in_dim3A_433 = vector.broadcast %jit3A_432 : f32 to vector<32x128xf32>
    %select_n3A_434 = arith.select %or3A_431, %broadcast_in_dim3A_433, %sub3A_408 : vector<32x128xi1>, vector<32x128xf32>
    %add3A_435 = arith.addf %add3A_393, %select_n3A_434 : vector<32x128xf32>
    %get3A_436 = arith.constant 416 : index
    %get3A_437 = arith.constant 0 : index
    %get3A_438 = vector.load %arg1[%get3A_436, %get3A_437] : memref<640x128xf32, #tpu.memory_space<vmem>>, vector<32x128xf32>
    %jit3A_439 = arith.constant 9.99999993E-9 : f32
    %jit3A_440 = arith.constant 1.000000e+00 : f32
    %max3A_441 = vector.broadcast %jit3A_439 : f32 to vector<32x128xf32>
    %max3A_442 = arith.maximumf %max3A_441, %get3A_438 : vector<32x128xf32>
    %min3A_443 = vector.broadcast %jit3A_440 : f32 to vector<32x128xf32>
    %min3A_444 = arith.minimumf %min3A_443, %max3A_442 : vector<32x128xf32>
    %sub3A_445 = arith.constant 1.000000e+00 : f32
    %sub3A_446 = vector.broadcast %sub3A_445 : f32 to vector<32x128xf32>
    %sub3A_447 = arith.subf %sub3A_446, %min3A_444 : vector<32x128xf32>
    %log3A_448 = math.log %sub3A_447 : vector<32x128xf32>
    %log3A_449 = math.log %min3A_444 : vector<32x128xf32>
    %sub3A_450 = arith.subf %log3A_448, %log3A_449 : vector<32x128xf32>
    %eq3A_451 = arith.cmpi eq, %get3A_40, %get3A_1 : vector<32x128xi32>
    %eq3A_452 = arith.cmpi eq, %get3A_40, %get3A_4 : vector<32x128xi32>
    %or3A_453 = arith.ori %eq3A_451, %eq3A_452 : vector<32x128xi1>
    %eq3A_454 = arith.cmpi eq, %get3A_40, %get3A_7 : vector<32x128xi32>
    %or3A_455 = arith.ori %or3A_453, %eq3A_454 : vector<32x128xi1>
    %eq3A_456 = arith.cmpi eq, %get3A_40, %get3A_10 : vector<32x128xi32>
    %or3A_457 = arith.ori %or3A_455, %eq3A_456 : vector<32x128xi1>
    %eq3A_458 = arith.cmpi eq, %get3A_40, %get3A_13 : vector<32x128xi32>
    %or3A_459 = arith.ori %or3A_457, %eq3A_458 : vector<32x128xi1>
    %eq3A_460 = arith.cmpi eq, %get3A_40, %get3A_16 : vector<32x128xi32>
    %or3A_461 = arith.ori %or3A_459, %eq3A_460 : vector<32x128xi1>
    %eq3A_462 = arith.cmpi eq, %get3A_40, %get3A_19 : vector<32x128xi32>
    %or3A_463 = arith.ori %or3A_461, %eq3A_462 : vector<32x128xi1>
    %eq3A_464 = arith.cmpi eq, %get3A_40, %get3A_22 : vector<32x128xi32>
    %or3A_465 = arith.ori %or3A_463, %eq3A_464 : vector<32x128xi1>
    %eq3A_466 = arith.cmpi eq, %get3A_40, %get3A_25 : vector<32x128xi32>
    %or3A_467 = arith.ori %or3A_465, %eq3A_466 : vector<32x128xi1>
    %eq3A_468 = arith.cmpi eq, %get3A_40, %get3A_28 : vector<32x128xi32>
    %or3A_469 = arith.ori %or3A_467, %eq3A_468 : vector<32x128xi1>
    %eq3A_470 = arith.cmpi eq, %get3A_40, %get3A_31 : vector<32x128xi32>
    %or3A_471 = arith.ori %or3A_469, %eq3A_470 : vector<32x128xi1>
    %eq3A_472 = arith.cmpi eq, %get3A_40, %get3A_34 : vector<32x128xi32>
    %or3A_473 = arith.ori %or3A_471, %eq3A_472 : vector<32x128xi1>
    %eq3A_474 = arith.cmpi eq, %get3A_40, %get3A_37 : vector<32x128xi32>
    %or3A_475 = arith.ori %or3A_473, %eq3A_474 : vector<32x128xi1>
    %jit3A_476 = arith.constant 0.000000e+00 : f32
    %broadcast_in_dim3A_477 = vector.broadcast %jit3A_476 : f32 to vector<32x128xf32>
    %select_n3A_478 = arith.select %or3A_475, %broadcast_in_dim3A_477, %sub3A_450 : vector<32x128xi1>, vector<32x128xf32>
    %add3A_479 = arith.addf %add3A_435, %select_n3A_478 : vector<32x128xf32>
    %get3A_480 = arith.constant 448 : index
    %get3A_481 = arith.constant 0 : index
    %get3A_482 = vector.load %arg1[%get3A_480, %get3A_481] : memref<640x128xf32, #tpu.memory_space<vmem>>, vector<32x128xf32>
    %jit3A_483 = arith.constant 9.99999993E-9 : f32
    %jit3A_484 = arith.constant 1.000000e+00 : f32
    %max3A_485 = vector.broadcast %jit3A_483 : f32 to vector<32x128xf32>
    %max3A_486 = arith.maximumf %max3A_485, %get3A_482 : vector<32x128xf32>
    %min3A_487 = vector.broadcast %jit3A_484 : f32 to vector<32x128xf32>
    %min3A_488 = arith.minimumf %min3A_487, %max3A_486 : vector<32x128xf32>
    %sub3A_489 = arith.constant 1.000000e+00 : f32
    %sub3A_490 = vector.broadcast %sub3A_489 : f32 to vector<32x128xf32>
    %sub3A_491 = arith.subf %sub3A_490, %min3A_488 : vector<32x128xf32>
    %log3A_492 = math.log %sub3A_491 : vector<32x128xf32>
    %log3A_493 = math.log %min3A_488 : vector<32x128xf32>
    %sub3A_494 = arith.subf %log3A_492, %log3A_493 : vector<32x128xf32>
    %eq3A_495 = arith.cmpi eq, %get3A_43, %get3A_1 : vector<32x128xi32>
    %eq3A_496 = arith.cmpi eq, %get3A_43, %get3A_4 : vector<32x128xi32>
    %or3A_497 = arith.ori %eq3A_495, %eq3A_496 : vector<32x128xi1>
    %eq3A_498 = arith.cmpi eq, %get3A_43, %get3A_7 : vector<32x128xi32>
    %or3A_499 = arith.ori %or3A_497, %eq3A_498 : vector<32x128xi1>
    %eq3A_500 = arith.cmpi eq, %get3A_43, %get3A_10 : vector<32x128xi32>
    %or3A_501 = arith.ori %or3A_499, %eq3A_500 : vector<32x128xi1>
    %eq3A_502 = arith.cmpi eq, %get3A_43, %get3A_13 : vector<32x128xi32>
    %or3A_503 = arith.ori %or3A_501, %eq3A_502 : vector<32x128xi1>
    %eq3A_504 = arith.cmpi eq, %get3A_43, %get3A_16 : vector<32x128xi32>
    %or3A_505 = arith.ori %or3A_503, %eq3A_504 : vector<32x128xi1>
    %eq3A_506 = arith.cmpi eq, %get3A_43, %get3A_19 : vector<32x128xi32>
    %or3A_507 = arith.ori %or3A_505, %eq3A_506 : vector<32x128xi1>
    %eq3A_508 = arith.cmpi eq, %get3A_43, %get3A_22 : vector<32x128xi32>
    %or3A_509 = arith.ori %or3A_507, %eq3A_508 : vector<32x128xi1>
    %eq3A_510 = arith.cmpi eq, %get3A_43, %get3A_25 : vector<32x128xi32>
    %or3A_511 = arith.ori %or3A_509, %eq3A_510 : vector<32x128xi1>
    %eq3A_512 = arith.cmpi eq, %get3A_43, %get3A_28 : vector<32x128xi32>
    %or3A_513 = arith.ori %or3A_511, %eq3A_512 : vector<32x128xi1>
    %eq3A_514 = arith.cmpi eq, %get3A_43, %get3A_31 : vector<32x128xi32>
    %or3A_515 = arith.ori %or3A_513, %eq3A_514 : vector<32x128xi1>
    %eq3A_516 = arith.cmpi eq, %get3A_43, %get3A_34 : vector<32x128xi32>
    %or3A_517 = arith.ori %or3A_515, %eq3A_516 : vector<32x128xi1>
    %eq3A_518 = arith.cmpi eq, %get3A_43, %get3A_37 : vector<32x128xi32>
    %or3A_519 = arith.ori %or3A_517, %eq3A_518 : vector<32x128xi1>
    %eq3A_520 = arith.cmpi eq, %get3A_43, %get3A_40 : vector<32x128xi32>
    %or3A_521 = arith.ori %or3A_519, %eq3A_520 : vector<32x128xi1>
    %jit3A_522 = arith.constant 0.000000e+00 : f32
    %broadcast_in_dim3A_523 = vector.broadcast %jit3A_522 : f32 to vector<32x128xf32>
    %select_n3A_524 = arith.select %or3A_521, %broadcast_in_dim3A_523, %sub3A_494 : vector<32x128xi1>, vector<32x128xf32>
    %add3A_525 = arith.addf %add3A_479, %select_n3A_524 : vector<32x128xf32>
    %get3A_526 = arith.constant 480 : index
    %get3A_527 = arith.constant 0 : index
    %get3A_528 = vector.load %arg1[%get3A_526, %get3A_527] : memref<640x128xf32, #tpu.memory_space<vmem>>, vector<32x128xf32>
    %jit3A_529 = arith.constant 9.99999993E-9 : f32
    %jit3A_530 = arith.constant 1.000000e+00 : f32
    %max3A_531 = vector.broadcast %jit3A_529 : f32 to vector<32x128xf32>
    %max3A_532 = arith.maximumf %max3A_531, %get3A_528 : vector<32x128xf32>
    %min3A_533 = vector.broadcast %jit3A_530 : f32 to vector<32x128xf32>
    %min3A_534 = arith.minimumf %min3A_533, %max3A_532 : vector<32x128xf32>
    %sub3A_535 = arith.constant 1.000000e+00 : f32
    %sub3A_536 = vector.broadcast %sub3A_535 : f32 to vector<32x128xf32>
    %sub3A_537 = arith.subf %sub3A_536, %min3A_534 : vector<32x128xf32>
    %log3A_538 = math.log %sub3A_537 : vector<32x128xf32>
    %log3A_539 = math.log %min3A_534 : vector<32x128xf32>
    %sub3A_540 = arith.subf %log3A_538, %log3A_539 : vector<32x128xf32>
    %eq3A_541 = arith.cmpi eq, %get3A_46, %get3A_1 : vector<32x128xi32>
    %eq3A_542 = arith.cmpi eq, %get3A_46, %get3A_4 : vector<32x128xi32>
    %or3A_543 = arith.ori %eq3A_541, %eq3A_542 : vector<32x128xi1>
    %eq3A_544 = arith.cmpi eq, %get3A_46, %get3A_7 : vector<32x128xi32>
    %or3A_545 = arith.ori %or3A_543, %eq3A_544 : vector<32x128xi1>
    %eq3A_546 = arith.cmpi eq, %get3A_46, %get3A_10 : vector<32x128xi32>
    %or3A_547 = arith.ori %or3A_545, %eq3A_546 : vector<32x128xi1>
    %eq3A_548 = arith.cmpi eq, %get3A_46, %get3A_13 : vector<32x128xi32>
    %or3A_549 = arith.ori %or3A_547, %eq3A_548 : vector<32x128xi1>
    %eq3A_550 = arith.cmpi eq, %get3A_46, %get3A_16 : vector<32x128xi32>
    %or3A_551 = arith.ori %or3A_549, %eq3A_550 : vector<32x128xi1>
    %eq3A_552 = arith.cmpi eq, %get3A_46, %get3A_19 : vector<32x128xi32>
    %or3A_553 = arith.ori %or3A_551, %eq3A_552 : vector<32x128xi1>
    %eq3A_554 = arith.cmpi eq, %get3A_46, %get3A_22 : vector<32x128xi32>
    %or3A_555 = arith.ori %or3A_553, %eq3A_554 : vector<32x128xi1>
    %eq3A_556 = arith.cmpi eq, %get3A_46, %get3A_25 : vector<32x128xi32>
    %or3A_557 = arith.ori %or3A_555, %eq3A_556 : vector<32x128xi1>
    %eq3A_558 = arith.cmpi eq, %get3A_46, %get3A_28 : vector<32x128xi32>
    %or3A_559 = arith.ori %or3A_557, %eq3A_558 : vector<32x128xi1>
    %eq3A_560 = arith.cmpi eq, %get3A_46, %get3A_31 : vector<32x128xi32>
    %or3A_561 = arith.ori %or3A_559, %eq3A_560 : vector<32x128xi1>
    %eq3A_562 = arith.cmpi eq, %get3A_46, %get3A_34 : vector<32x128xi32>
    %or3A_563 = arith.ori %or3A_561, %eq3A_562 : vector<32x128xi1>
    %eq3A_564 = arith.cmpi eq, %get3A_46, %get3A_37 : vector<32x128xi32>
    %or3A_565 = arith.ori %or3A_563, %eq3A_564 : vector<32x128xi1>
    %eq3A_566 = arith.cmpi eq, %get3A_46, %get3A_40 : vector<32x128xi32>
    %or3A_567 = arith.ori %or3A_565, %eq3A_566 : vector<32x128xi1>
    %eq3A_568 = arith.cmpi eq, %get3A_46, %get3A_43 : vector<32x128xi32>
    %or3A_569 = arith.ori %or3A_567, %eq3A_568 : vector<32x128xi1>
    %jit3A_570 = arith.constant 0.000000e+00 : f32
    %broadcast_in_dim3A_571 = vector.broadcast %jit3A_570 : f32 to vector<32x128xf32>
    %select_n3A_572 = arith.select %or3A_569, %broadcast_in_dim3A_571, %sub3A_540 : vector<32x128xi1>, vector<32x128xf32>
    %add3A_573 = arith.addf %add3A_525, %select_n3A_572 : vector<32x128xf32>
    %get3A_574 = arith.constant 512 : index
    %get3A_575 = arith.constant 0 : index
    %get3A_576 = vector.load %arg1[%get3A_574, %get3A_575] : memref<640x128xf32, #tpu.memory_space<vmem>>, vector<32x128xf32>
    %jit3A_577 = arith.constant 9.99999993E-9 : f32
    %jit3A_578 = arith.constant 1.000000e+00 : f32
    %max3A_579 = vector.broadcast %jit3A_577 : f32 to vector<32x128xf32>
    %max3A_580 = arith.maximumf %max3A_579, %get3A_576 : vector<32x128xf32>
    %min3A_581 = vector.broadcast %jit3A_578 : f32 to vector<32x128xf32>
    %min3A_582 = arith.minimumf %min3A_581, %max3A_580 : vector<32x128xf32>
    %sub3A_583 = arith.constant 1.000000e+00 : f32
    %sub3A_584 = vector.broadcast %sub3A_583 : f32 to vector<32x128xf32>
    %sub3A_585 = arith.subf %sub3A_584, %min3A_582 : vector<32x128xf32>
    %log3A_586 = math.log %sub3A_585 : vector<32x128xf32>
    %log3A_587 = math.log %min3A_582 : vector<32x128xf32>
    %sub3A_588 = arith.subf %log3A_586, %log3A_587 : vector<32x128xf32>
    %eq3A_589 = arith.cmpi eq, %get3A_49, %get3A_1 : vector<32x128xi32>
    %eq3A_590 = arith.cmpi eq, %get3A_49, %get3A_4 : vector<32x128xi32>
    %or3A_591 = arith.ori %eq3A_589, %eq3A_590 : vector<32x128xi1>
    %eq3A_592 = arith.cmpi eq, %get3A_49, %get3A_7 : vector<32x128xi32>
    %or3A_593 = arith.ori %or3A_591, %eq3A_592 : vector<32x128xi1>
    %eq3A_594 = arith.cmpi eq, %get3A_49, %get3A_10 : vector<32x128xi32>
    %or3A_595 = arith.ori %or3A_593, %eq3A_594 : vector<32x128xi1>
    %eq3A_596 = arith.cmpi eq, %get3A_49, %get3A_13 : vector<32x128xi32>
    %or3A_597 = arith.ori %or3A_595, %eq3A_596 : vector<32x128xi1>
    %eq3A_598 = arith.cmpi eq, %get3A_49, %get3A_16 : vector<32x128xi32>
    %or3A_599 = arith.ori %or3A_597, %eq3A_598 : vector<32x128xi1>
    %eq3A_600 = arith.cmpi eq, %get3A_49, %get3A_19 : vector<32x128xi32>
    %or3A_601 = arith.ori %or3A_599, %eq3A_600 : vector<32x128xi1>
    %eq3A_602 = arith.cmpi eq, %get3A_49, %get3A_22 : vector<32x128xi32>
    %or3A_603 = arith.ori %or3A_601, %eq3A_602 : vector<32x128xi1>
    %eq3A_604 = arith.cmpi eq, %get3A_49, %get3A_25 : vector<32x128xi32>
    %or3A_605 = arith.ori %or3A_603, %eq3A_604 : vector<32x128xi1>
    %eq3A_606 = arith.cmpi eq, %get3A_49, %get3A_28 : vector<32x128xi32>
    %or3A_607 = arith.ori %or3A_605, %eq3A_606 : vector<32x128xi1>
    %eq3A_608 = arith.cmpi eq, %get3A_49, %get3A_31 : vector<32x128xi32>
    %or3A_609 = arith.ori %or3A_607, %eq3A_608 : vector<32x128xi1>
    %eq3A_610 = arith.cmpi eq, %get3A_49, %get3A_34 : vector<32x128xi32>
    %or3A_611 = arith.ori %or3A_609, %eq3A_610 : vector<32x128xi1>
    %eq3A_612 = arith.cmpi eq, %get3A_49, %get3A_37 : vector<32x128xi32>
    %or3A_613 = arith.ori %or3A_611, %eq3A_612 : vector<32x128xi1>
    %eq3A_614 = arith.cmpi eq, %get3A_49, %get3A_40 : vector<32x128xi32>
    %or3A_615 = arith.ori %or3A_613, %eq3A_614 : vector<32x128xi1>
    %eq3A_616 = arith.cmpi eq, %get3A_49, %get3A_43 : vector<32x128xi32>
    %or3A_617 = arith.ori %or3A_615, %eq3A_616 : vector<32x128xi1>
    %eq3A_618 = arith.cmpi eq, %get3A_49, %get3A_46 : vector<32x128xi32>
    %or3A_619 = arith.ori %or3A_617, %eq3A_618 : vector<32x128xi1>
    %jit3A_620 = arith.constant 0.000000e+00 : f32
    %broadcast_in_dim3A_621 = vector.broadcast %jit3A_620 : f32 to vector<32x128xf32>
    %select_n3A_622 = arith.select %or3A_619, %broadcast_in_dim3A_621, %sub3A_588 : vector<32x128xi1>, vector<32x128xf32>
    %add3A_623 = arith.addf %add3A_573, %select_n3A_622 : vector<32x128xf32>
    %get3A_624 = arith.constant 544 : index
    %get3A_625 = arith.constant 0 : index
    %get3A_626 = vector.load %arg1[%get3A_624, %get3A_625] : memref<640x128xf32, #tpu.memory_space<vmem>>, vector<32x128xf32>
    %jit3A_627 = arith.constant 9.99999993E-9 : f32
    %jit3A_628 = arith.constant 1.000000e+00 : f32
    %max3A_629 = vector.broadcast %jit3A_627 : f32 to vector<32x128xf32>
    %max3A_630 = arith.maximumf %max3A_629, %get3A_626 : vector<32x128xf32>
    %min3A_631 = vector.broadcast %jit3A_628 : f32 to vector<32x128xf32>
    %min3A_632 = arith.minimumf %min3A_631, %max3A_630 : vector<32x128xf32>
    %sub3A_633 = arith.constant 1.000000e+00 : f32
    %sub3A_634 = vector.broadcast %sub3A_633 : f32 to vector<32x128xf32>
    %sub3A_635 = arith.subf %sub3A_634, %min3A_632 : vector<32x128xf32>
    %log3A_636 = math.log %sub3A_635 : vector<32x128xf32>
    %log3A_637 = math.log %min3A_632 : vector<32x128xf32>
    %sub3A_638 = arith.subf %log3A_636, %log3A_637 : vector<32x128xf32>
    %eq3A_639 = arith.cmpi eq, %get3A_52, %get3A_1 : vector<32x128xi32>
    %eq3A_640 = arith.cmpi eq, %get3A_52, %get3A_4 : vector<32x128xi32>
    %or3A_641 = arith.ori %eq3A_639, %eq3A_640 : vector<32x128xi1>
    %eq3A_642 = arith.cmpi eq, %get3A_52, %get3A_7 : vector<32x128xi32>
    %or3A_643 = arith.ori %or3A_641, %eq3A_642 : vector<32x128xi1>
    %eq3A_644 = arith.cmpi eq, %get3A_52, %get3A_10 : vector<32x128xi32>
    %or3A_645 = arith.ori %or3A_643, %eq3A_644 : vector<32x128xi1>
    %eq3A_646 = arith.cmpi eq, %get3A_52, %get3A_13 : vector<32x128xi32>
    %or3A_647 = arith.ori %or3A_645, %eq3A_646 : vector<32x128xi1>
    %eq3A_648 = arith.cmpi eq, %get3A_52, %get3A_16 : vector<32x128xi32>
    %or3A_649 = arith.ori %or3A_647, %eq3A_648 : vector<32x128xi1>
    %eq3A_650 = arith.cmpi eq, %get3A_52, %get3A_19 : vector<32x128xi32>
    %or3A_651 = arith.ori %or3A_649, %eq3A_650 : vector<32x128xi1>
    %eq3A_652 = arith.cmpi eq, %get3A_52, %get3A_22 : vector<32x128xi32>
    %or3A_653 = arith.ori %or3A_651, %eq3A_652 : vector<32x128xi1>
    %eq3A_654 = arith.cmpi eq, %get3A_52, %get3A_25 : vector<32x128xi32>
    %or3A_655 = arith.ori %or3A_653, %eq3A_654 : vector<32x128xi1>
    %eq3A_656 = arith.cmpi eq, %get3A_52, %get3A_28 : vector<32x128xi32>
    %or3A_657 = arith.ori %or3A_655, %eq3A_656 : vector<32x128xi1>
    %eq3A_658 = arith.cmpi eq, %get3A_52, %get3A_31 : vector<32x128xi32>
    %or3A_659 = arith.ori %or3A_657, %eq3A_658 : vector<32x128xi1>
    %eq3A_660 = arith.cmpi eq, %get3A_52, %get3A_34 : vector<32x128xi32>
    %or3A_661 = arith.ori %or3A_659, %eq3A_660 : vector<32x128xi1>
    %eq3A_662 = arith.cmpi eq, %get3A_52, %get3A_37 : vector<32x128xi32>
    %or3A_663 = arith.ori %or3A_661, %eq3A_662 : vector<32x128xi1>
    %eq3A_664 = arith.cmpi eq, %get3A_52, %get3A_40 : vector<32x128xi32>
    %or3A_665 = arith.ori %or3A_663, %eq3A_664 : vector<32x128xi1>
    %eq3A_666 = arith.cmpi eq, %get3A_52, %get3A_43 : vector<32x128xi32>
    %or3A_667 = arith.ori %or3A_665, %eq3A_666 : vector<32x128xi1>
    %eq3A_668 = arith.cmpi eq, %get3A_52, %get3A_46 : vector<32x128xi32>
    %or3A_669 = arith.ori %or3A_667, %eq3A_668 : vector<32x128xi1>
    %eq3A_670 = arith.cmpi eq, %get3A_52, %get3A_49 : vector<32x128xi32>
    %or3A_671 = arith.ori %or3A_669, %eq3A_670 : vector<32x128xi1>
    %jit3A_672 = arith.constant 0.000000e+00 : f32
    %broadcast_in_dim3A_673 = vector.broadcast %jit3A_672 : f32 to vector<32x128xf32>
    %select_n3A_674 = arith.select %or3A_671, %broadcast_in_dim3A_673, %sub3A_638 : vector<32x128xi1>, vector<32x128xf32>
    %add3A_675 = arith.addf %add3A_623, %select_n3A_674 : vector<32x128xf32>
    %get3A_676 = arith.constant 576 : index
    %get3A_677 = arith.constant 0 : index
    %get3A_678 = vector.load %arg1[%get3A_676, %get3A_677] : memref<640x128xf32, #tpu.memory_space<vmem>>, vector<32x128xf32>
    %jit3A_679 = arith.constant 9.99999993E-9 : f32
    %jit3A_680 = arith.constant 1.000000e+00 : f32
    %max3A_681 = vector.broadcast %jit3A_679 : f32 to vector<32x128xf32>
    %max3A_682 = arith.maximumf %max3A_681, %get3A_678 : vector<32x128xf32>
    %min3A_683 = vector.broadcast %jit3A_680 : f32 to vector<32x128xf32>
    %min3A_684 = arith.minimumf %min3A_683, %max3A_682 : vector<32x128xf32>
    %sub3A_685 = arith.constant 1.000000e+00 : f32
    %sub3A_686 = vector.broadcast %sub3A_685 : f32 to vector<32x128xf32>
    %sub3A_687 = arith.subf %sub3A_686, %min3A_684 : vector<32x128xf32>
    %log3A_688 = math.log %sub3A_687 : vector<32x128xf32>
    %log3A_689 = math.log %min3A_684 : vector<32x128xf32>
    %sub3A_690 = arith.subf %log3A_688, %log3A_689 : vector<32x128xf32>
    %eq3A_691 = arith.cmpi eq, %get3A_55, %get3A_1 : vector<32x128xi32>
    %eq3A_692 = arith.cmpi eq, %get3A_55, %get3A_4 : vector<32x128xi32>
    %or3A_693 = arith.ori %eq3A_691, %eq3A_692 : vector<32x128xi1>
    %eq3A_694 = arith.cmpi eq, %get3A_55, %get3A_7 : vector<32x128xi32>
    %or3A_695 = arith.ori %or3A_693, %eq3A_694 : vector<32x128xi1>
    %eq3A_696 = arith.cmpi eq, %get3A_55, %get3A_10 : vector<32x128xi32>
    %or3A_697 = arith.ori %or3A_695, %eq3A_696 : vector<32x128xi1>
    %eq3A_698 = arith.cmpi eq, %get3A_55, %get3A_13 : vector<32x128xi32>
    %or3A_699 = arith.ori %or3A_697, %eq3A_698 : vector<32x128xi1>
    %eq3A_700 = arith.cmpi eq, %get3A_55, %get3A_16 : vector<32x128xi32>
    %or3A_701 = arith.ori %or3A_699, %eq3A_700 : vector<32x128xi1>
    %eq3A_702 = arith.cmpi eq, %get3A_55, %get3A_19 : vector<32x128xi32>
    %or3A_703 = arith.ori %or3A_701, %eq3A_702 : vector<32x128xi1>
    %eq3A_704 = arith.cmpi eq, %get3A_55, %get3A_22 : vector<32x128xi32>
    %or3A_705 = arith.ori %or3A_703, %eq3A_704 : vector<32x128xi1>
    %eq3A_706 = arith.cmpi eq, %get3A_55, %get3A_25 : vector<32x128xi32>
    %or3A_707 = arith.ori %or3A_705, %eq3A_706 : vector<32x128xi1>
    %eq3A_708 = arith.cmpi eq, %get3A_55, %get3A_28 : vector<32x128xi32>
    %or3A_709 = arith.ori %or3A_707, %eq3A_708 : vector<32x128xi1>
    %eq3A_710 = arith.cmpi eq, %get3A_55, %get3A_31 : vector<32x128xi32>
    %or3A_711 = arith.ori %or3A_709, %eq3A_710 : vector<32x128xi1>
    %eq3A_712 = arith.cmpi eq, %get3A_55, %get3A_34 : vector<32x128xi32>
    %or3A_713 = arith.ori %or3A_711, %eq3A_712 : vector<32x128xi1>
    %eq3A_714 = arith.cmpi eq, %get3A_55, %get3A_37 : vector<32x128xi32>
    %or3A_715 = arith.ori %or3A_713, %eq3A_714 : vector<32x128xi1>
    %eq3A_716 = arith.cmpi eq, %get3A_55, %get3A_40 : vector<32x128xi32>
    %or3A_717 = arith.ori %or3A_715, %eq3A_716 : vector<32x128xi1>
    %eq3A_718 = arith.cmpi eq, %get3A_55, %get3A_43 : vector<32x128xi32>
    %or3A_719 = arith.ori %or3A_717, %eq3A_718 : vector<32x128xi1>
    %eq3A_720 = arith.cmpi eq, %get3A_55, %get3A_46 : vector<32x128xi32>
    %or3A_721 = arith.ori %or3A_719, %eq3A_720 : vector<32x128xi1>
    %eq3A_722 = arith.cmpi eq, %get3A_55, %get3A_49 : vector<32x128xi32>
    %or3A_723 = arith.ori %or3A_721, %eq3A_722 : vector<32x128xi1>
    %eq3A_724 = arith.cmpi eq, %get3A_55, %get3A_52 : vector<32x128xi32>
    %or3A_725 = arith.ori %or3A_723, %eq3A_724 : vector<32x128xi1>
    %jit3A_726 = arith.constant 0.000000e+00 : f32
    %broadcast_in_dim3A_727 = vector.broadcast %jit3A_726 : f32 to vector<32x128xf32>
    %select_n3A_728 = arith.select %or3A_725, %broadcast_in_dim3A_727, %sub3A_690 : vector<32x128xi1>, vector<32x128xf32>
    %add3A_729 = arith.addf %add3A_675, %select_n3A_728 : vector<32x128xf32>
    %get3A_730 = arith.constant 608 : index
    %get3A_731 = arith.constant 0 : index
    %get3A_732 = vector.load %arg1[%get3A_730, %get3A_731] : memref<640x128xf32, #tpu.memory_space<vmem>>, vector<32x128xf32>
    %jit3A_733 = arith.constant 9.99999993E-9 : f32
    %jit3A_734 = arith.constant 1.000000e+00 : f32
    %max3A_735 = vector.broadcast %jit3A_733 : f32 to vector<32x128xf32>
    %max3A_736 = arith.maximumf %max3A_735, %get3A_732 : vector<32x128xf32>
    %min3A_737 = vector.broadcast %jit3A_734 : f32 to vector<32x128xf32>
    %min3A_738 = arith.minimumf %min3A_737, %max3A_736 : vector<32x128xf32>
    %sub3A_739 = arith.constant 1.000000e+00 : f32
    %sub3A_740 = vector.broadcast %sub3A_739 : f32 to vector<32x128xf32>
    %sub3A_741 = arith.subf %sub3A_740, %min3A_738 : vector<32x128xf32>
    %log3A_742 = math.log %sub3A_741 : vector<32x128xf32>
    %log3A_743 = math.log %min3A_738 : vector<32x128xf32>
    %sub3A_744 = arith.subf %log3A_742, %log3A_743 : vector<32x128xf32>
    %eq3A_745 = arith.cmpi eq, %get3A_58, %get3A_1 : vector<32x128xi32>
    %eq3A_746 = arith.cmpi eq, %get3A_58, %get3A_4 : vector<32x128xi32>
    %or3A_747 = arith.ori %eq3A_745, %eq3A_746 : vector<32x128xi1>
    %eq3A_748 = arith.cmpi eq, %get3A_58, %get3A_7 : vector<32x128xi32>
    %or3A_749 = arith.ori %or3A_747, %eq3A_748 : vector<32x128xi1>
    %eq3A_750 = arith.cmpi eq, %get3A_58, %get3A_10 : vector<32x128xi32>
    %or3A_751 = arith.ori %or3A_749, %eq3A_750 : vector<32x128xi1>
    %eq3A_752 = arith.cmpi eq, %get3A_58, %get3A_13 : vector<32x128xi32>
    %or3A_753 = arith.ori %or3A_751, %eq3A_752 : vector<32x128xi1>
    %eq3A_754 = arith.cmpi eq, %get3A_58, %get3A_16 : vector<32x128xi32>
    %or3A_755 = arith.ori %or3A_753, %eq3A_754 : vector<32x128xi1>
    %eq3A_756 = arith.cmpi eq, %get3A_58, %get3A_19 : vector<32x128xi32>
    %or3A_757 = arith.ori %or3A_755, %eq3A_756 : vector<32x128xi1>
    %eq3A_758 = arith.cmpi eq, %get3A_58, %get3A_22 : vector<32x128xi32>
    %or3A_759 = arith.ori %or3A_757, %eq3A_758 : vector<32x128xi1>
    %eq3A_760 = arith.cmpi eq, %get3A_58, %get3A_25 : vector<32x128xi32>
    %or3A_761 = arith.ori %or3A_759, %eq3A_760 : vector<32x128xi1>
    %eq3A_762 = arith.cmpi eq, %get3A_58, %get3A_28 : vector<32x128xi32>
    %or3A_763 = arith.ori %or3A_761, %eq3A_762 : vector<32x128xi1>
    %eq3A_764 = arith.cmpi eq, %get3A_58, %get3A_31 : vector<32x128xi32>
    %or3A_765 = arith.ori %or3A_763, %eq3A_764 : vector<32x128xi1>
    %eq3A_766 = arith.cmpi eq, %get3A_58, %get3A_34 : vector<32x128xi32>
    %or3A_767 = arith.ori %or3A_765, %eq3A_766 : vector<32x128xi1>
    %eq3A_768 = arith.cmpi eq, %get3A_58, %get3A_37 : vector<32x128xi32>
    %or3A_769 = arith.ori %or3A_767, %eq3A_768 : vector<32x128xi1>
    %eq3A_770 = arith.cmpi eq, %get3A_58, %get3A_40 : vector<32x128xi32>
    %or3A_771 = arith.ori %or3A_769, %eq3A_770 : vector<32x128xi1>
    %eq3A_772 = arith.cmpi eq, %get3A_58, %get3A_43 : vector<32x128xi32>
    %or3A_773 = arith.ori %or3A_771, %eq3A_772 : vector<32x128xi1>
    %eq3A_774 = arith.cmpi eq, %get3A_58, %get3A_46 : vector<32x128xi32>
    %or3A_775 = arith.ori %or3A_773, %eq3A_774 : vector<32x128xi1>
    %eq3A_776 = arith.cmpi eq, %get3A_58, %get3A_49 : vector<32x128xi32>
    %or3A_777 = arith.ori %or3A_775, %eq3A_776 : vector<32x128xi1>
    %eq3A_778 = arith.cmpi eq, %get3A_58, %get3A_52 : vector<32x128xi32>
    %or3A_779 = arith.ori %or3A_777, %eq3A_778 : vector<32x128xi1>
    %eq3A_780 = arith.cmpi eq, %get3A_58, %get3A_55 : vector<32x128xi32>
    %or3A_781 = arith.ori %or3A_779, %eq3A_780 : vector<32x128xi1>
    %jit3A_782 = arith.constant 0.000000e+00 : f32
    %broadcast_in_dim3A_783 = vector.broadcast %jit3A_782 : f32 to vector<32x128xf32>
    %select_n3A_784 = arith.select %or3A_781, %broadcast_in_dim3A_783, %sub3A_744 : vector<32x128xi1>, vector<32x128xf32>
    %add3A_785 = arith.addf %add3A_729, %select_n3A_784 : vector<32x128xf32>
    %get3A_786 = arith.constant 0 : index
    %get3A_787 = arith.constant 0 : index
    %get3A_788 = memref.load %arg2[%get3A_786, %get3A_787] : memref<1x1xf32, #tpu.memory_space<smem>>
    %reduce_sum3A = vector.shape_cast %add3A_785 : vector<32x128xf32> to vector<1x32x128xf32>
    %reduce_sum3A_789 = arith.constant dense<0.000000e+00> : vector<1xf32>
    %reduce_sum3A_790 = vector.multi_reduction <add>, %reduce_sum3A, %reduce_sum3A_789 [1, 2] : vector<1x32x128xf32> to vector<1xf32>
    %reduce_sum3A_791 = vector.shape_cast %reduce_sum3A_790 : vector<1xf32> to vector<1x1x1xf32>
    %reduce_sum3A_792 = vector.extract %reduce_sum3A_791[0, 0, 0] : f32 from vector<1x1x1xf32>
    %add3A_793 = arith.addf %get3A_788, %reduce_sum3A_792 : f32
    %swap3A = arith.constant 0 : index
    %swap3A_794 = arith.constant 0 : index
    %swap3A_795 = memref.load %arg3[%swap3A, %swap3A_794] : memref<1x1xf32, #tpu.memory_space<smem>>
    memref.store %add3A_793, %arg3[%swap3A, %swap3A_794] : memref<1x1xf32, #tpu.memory_space<smem>>
    return
  }
}

</mosaic_0001>

<sc_bundles>
// kernel: kernel.5.cloned.1.call-start
scs
__scs_entry_jumppad:
0x0: {  	(pc) =	sbr.rel $0x88, $3  }
0x1: {  	(tag) =	ssettag $0x0;
	lr =	simm.s32 $0x1  }
0x2: {  	[smem:$0x3F9F] =	sst lr;
	_ =	strace $0xD0000000  }
0x3: {  	_ = 	snop  }
0x4: {  	_ = 	snop  }
0x5: {  	_ = 	snop  }
0x6: {  	_ = 	snop  }
0x7: {  	_ = 	snop  }
__scs_overlays_trampoline_lowered:
0x8: {  	[smem:$0x3FAE] =	sst s0  }
0x9: {  	[smem:$0x3FAF] =	sst s1  }
0xa: {  	[smem:$0x3FB0] =	sst s2  }
0xb: {  	[smem:$0x3FB1] =	sst s3  }
0xc: {  	[smem:$0x3FB2] =	sst s4  }
0xd: {  	[smem:$0x3FB3] =	sst s5  }
0xe: {  	[smem:$0x3FB4] =	sst s6  }
0xf: {  	[smem:$0x3FB5] =	sst s7  }
0x10: {  	[smem:$0x3FB6] =	sst s8  }
0x11: {  	[smem:$0x3FB7] =	sst s9;
	s0 =	simm.s32 @!p0 $0x0  }
0x12: {  	s1 =	sld [smem:$0x3F9D];
	s0 =	simm.s32 @p0 $0x1  }
0x13: {  	[smem:$0x3FB8] =	sst s0;
	s0 =	simm.s32 @!p1 $0x0  }
0x14: {  	s2 =	sld [smem:$0x3F9C];
	s0 =	simm.s32 @p1 $0x1  }
0x15: {  	[smem:$0x3FB9] =	sst s0;
	s0 =	simm.s32 @!p2 $0x0  }
0x16: {  	s3 =	sld [smem:$0x3FDB];
	s0 =	simm.s32 @p2 $0x1  }
0x17: {  	s4 =	simm.s32 $0x1BF5;
	[smem:$0x3FBB] =	sst s0  }
0x18: {  	s0 =	sld [smem:$0x3F9E];
	_ =	swait.ge [sflag:s4], $0x0  }
0x19: {  	s7 =	sld [smem:$0x3F9F]  }
0x1a: {  	s8 =	sadd.s32 $0xFFFFE003, lr  }
0x1b: {  	s9 =	sadd.s32 $0xFFFFFEF7, lr;
	s5 =	simm.s32 $0xFFFFFFFF;
	p2 =	slt.u32 s8, $0xFFFFF086  }
0x1c: {  	p1 =	slt.u32 s9, $0xF7A;
	s5 =	simm.s32 @!p2 $0x0  }
0x1d: {  	s5 =	simm.s32 @p1 $0x1;
	p0 =	seq.s32 s7, s2  }
0x1e: {  	s7 =	smul.u32 @!p0 $0xF7A, s2;
	p2 =	seq.s32 @!p0 s5, $0x0  }
0x1f: {  	s9 =	smul.u32 $0xF7A, s1;
	s8 =	simm.s32 @!p0 $0x1BF5;
	p2 =	por !p2, p0  }
0x20: {  	[sflag:s8] =	ssyncset.s32 @!p0 $0xFFFFF086;
	s6 =	sadd.s32 @!p0 s3, s7;
	s7 =	simm.s32 @!p0 $0x108  }
0x21: {  	s3 =	sadd.s32 s3, s9;
	s6 =	sadd.s32 @!p0 $0x88, s6;
	s7 =	simm.s32 @p2 $0x1082  }
0x22: {  	[simem:s7], [sflag:s8] =	dma.local @!p0 [hbm:s6], $0xF7A  }
0x23: {  	s9 =	sor.u32 $0xD0000000, s2;
	s6 =	simm.s32 $0x108;
	_ =	swait.ge @!p0 [sflag:s8], $0x0  }
0x24: {  	s3 =	sadd.s32 $0x88, s3;
	s6 =	simm.s32 @!p1 $0x1082;
	[sflag:s4] =	ssyncset.s32 $0xFFFFF086  }
0x25: {  	[simem:s6], [sflag:s4] =	dma.local [hbm:s3], $0xF7A  }
0x26: {  	[smem:$0x3F9F] =	sst s1;
	(tag) =	ssettag s2;
	_ =	strace s9  }
0x27: {  	s1 =	sld [smem:$0x3FAF]  }
0x28: {  	s2 =	sld [smem:$0x3FB0]  }
0x29: {  	s4 =	sld [smem:$0x3FB2]  }
0x2a: {  	p0 =	seq.s32 s5, $0x0;
	s5 =	sld [smem:$0x3FB3]  }
0x2b: {  	s6 =	sld [smem:$0x3FB4]  }
0x2c: {  	s7 =	sld [smem:$0x3FB5]  }
0x2d: {  	s3 =	simm.s32 $0x108;
	s8 =	sld [smem:$0x3FB6]  }
0x2e: {  	s3 =	simm.s32 @!p0 $0x1082;
	s9 =	sld [smem:$0x3FB7]  }
0x2f: {  	lr =	sadd.s32 s0, s3;
	s0 =	sld [smem:$0x3FAE]  }
0x30: {  	s3 =	sld [smem:$0x3FB1]  }
0x31: {  	[smem:$0x3FBA] =	sst s10  }
0x32: {  	s10 =	sld [smem:$0x3FB8];
	_ =	sdelay $0x3  }
0x33: {  	p0 =	seq.s32 s10, $0x1;
	s10 =	sld [smem:$0x3FBA];
	_ =	sdelay $0x3  }
0x34: {  	[smem:$0x3FBA] =	sst s10  }
0x35: {  	s10 =	sld [smem:$0x3FB9];
	_ =	sdelay $0x3  }
0x36: {  	p1 =	seq.s32 s10, $0x1;
	s10 =	sld [smem:$0x3FBA];
	_ =	sdelay $0x3  }
0x37: {  	[smem:$0x3FBA] =	sst s10  }
0x38: {  	s10 =	sld [smem:$0x3FBB]  }
0x39: {  	_ = 	snop;
	(pc) =	sbr.ind lr, $3  }
0x3a: {  	_ = 	snop  }
0x3b: {  	_ = 	snop  }
0x3c: {  	p2 =	seq.s32 s10, $0x1;
	s10 =	sld [smem:$0x3FBA]  }
0x3d: {  	_ =	shalt  }
0x3e: {  	_ =	shalt  }
0x3f: {  	_ =	shalt  }
0x40: {  	_ =	shalt  }
0x41: {  	_ =	shalt  }
0x42: {  	_ =	shalt  }
0x43: {  	_ =	shalt  }
0x44: {  	_ =	shalt  }
0x45: {  	_ =	shalt  }
0x46: {  	_ =	shalt  }
0x47: {  	_ =	shalt  }
0x48: {  	_ =	shalt  }
0x49: {  	_ =	shalt  }
0x4a: {  	_ =	shalt  }
0x4b: {  	_ =	shalt  }
0x4c: {  	_ =	shalt  }
0x4d: {  	_ =	shalt  }
0x4e: {  	_ =	shalt  }
0x4f: {  	_ =	shalt  }
0x50: {  	_ =	shalt  }
0x51: {  	_ =	shalt  }
0x52: {  	_ =	shalt  }
0x53: {  	_ =	shalt  }
0x54: {  	_ =	shalt  }
0x55: {  	_ =	shalt  }
0x56: {  	_ =	shalt  }
0x57: {  	_ =	shalt  }
0x58: {  	_ =	shalt  }
0x59: {  	_ =	shalt  }
0x5a: {  	_ =	shalt  }
0x5b: {  	_ =	shalt  }
0x5c: {  	_ =	shalt  }
0x5d: {  	_ =	shalt  }
0x5e: {  	_ =	shalt  }
0x5f: {  	_ =	shalt  }
0x60: {  	_ =	shalt  }
0x61: {  	_ =	shalt  }
0x62: {  	_ =	shalt  }
0x63: {  	_ =	shalt  }
0x64: {  	_ =	shalt  }
0x65: {  	_ =	shalt  }
0x66: {  	_ =	shalt  }
0x67: {  	_ =	shalt  }
0x68: {  	_ =	shalt  }
0x69: {  	_ =	shalt  }
0x6a: {  	_ =	shalt  }
0x6b: {  	_ =	shalt  }
0x6c: {  	_ =	shalt  }
0x6d: {  	_ =	shalt  }
0x6e: {  	_ =	shalt  }
0x6f: {  	_ =	shalt  }
0x70: {  	_ =	shalt  }
0x71: {  	_ =	shalt  }
0x72: {  	_ =	shalt  }
0x73: {  	_ =	shalt  }
0x74: {  	_ =	shalt  }
0x75: {  	_ =	shalt  }
0x76: {  	_ =	shalt  }
0x77: {  	_ =	shalt  }
0x78: {  	_ =	shalt  }
0x79: {  	_ =	shalt  }
0x7a: {  	_ =	shalt  }
0x7b: {  	_ =	shalt  }
0x7c: {  	_ =	shalt  }
0x7d: {  	_ =	shalt  }
0x7e: {  	_ =	shalt  }
0x7f: {  	_ =	shalt  }
0x80: {  	_ =	shalt  }
0x81: {  	_ =	shalt  }
0x82: {  	_ =	shalt  }
0x83: {  	_ =	shalt  }
0x84: {  	_ =	shalt  }
0x85: {  	_ =	shalt  }
0x86: {  	_ =	shalt  }
0x87: {  	_ =	shalt  }
.Lfunc_end0:
.L_simem_size_0:
called_computation_lowered:
.L_overlay_start_0:
0x88: {  	s2 =	sld [smem:$0x3FD9]  }
0x89: {  	s3 =	sld [smem:$0x3FFE];
	_ =	sdelay $0x1  }
0x8a: {  	s1 =	srdreg.scid  }
0x8b: {  	s0 =	sand.u32 $0x1, s1  }
0x8c: {  	s17 =	sshll.u32 s0, $0xA;
	s2 =	sadd.s32 s3, s2  }
0x8d: {  	s2 =	sadd.s32 s2, s17  }
0x8e: {  	[smem:$0x3FC6] =	sst s2  }
0x8f: {  	_ = 	snop  }
0x90: {  	s2 =	sld [smem:$0x3FC9];
	(tm) =	ssettm $0x1  }
0x91: {  	s18 =	sld [smem:$0x3FFB];
	_ =	sdelay $0x3  }
0x92: {  	_ =	strace s18  }
0x93: {  	s3 =	sld [smem:$0x3FFC];
	_ =	sdelay $0x3  }
0x94: {  	_ =	strace s3  }
0x95: {  	s3 =	sld [smem:$0x3FFD];
	_ =	sdelay $0x3  }
0x96: {  	_ =	strace s3  }
0x97: {  	_ =	strace $0x8FFFFFFF  }
0x98: {  	s19 =	sld [smem:$0x3FDB];
	_ =	sdelay $0x1  }
0x99: {  	s4 =	simm.s32 $_scs_section_size  }
0x9a: {  	s5 =	simm.s32 $_size__tile_overlayer_lowered;
	s6 =	simm.s32 $_tile_overlayer_lowered  }
0x9b: {  	s22 =	simm.s32 $0x1BFF;
	s21 =	sshll.u32 s6, $0x1;
	s3 =	sadd.s32 s4, s19  }
0x9c: {  	s7 =	simm.s32 $0x0;
	s20 =	sshll.u32 s5, $0x1;
	s5 =	sadd.s32 s21, s3  }
0x9d: {  	[timem:s7], [sflag:s22] =	dma.local [hbm:s5], s20  }
0x9e: {  	_ =	swait.ge [sflag:s22], s20  }
0x9f: {  	s4 =	ssub.s32 $0x0, s20;
	[sflag:s22] =	ssyncset.done $0x0  }
0xa0: {  	[sflag:s22] =	ssyncadd.s32 s4;
	_ =	sdelay $0x1  }
0xa1: {  	s23 =	simm.s32 $0x1B8B  }
0xa2: {  	_ =	swait.ge [sflag:s23], $0x1  }
0xa3: {  	[sflag:s23] =	ssyncset.done $0x0  }
0xa4: {  	s25 =	simm.s32 $0x1B8E;
	s24 =	sld [smem:$0x3FFE];
	[sflag:s23] =	ssyncadd.s32 $0xFFFFFFFF  }
0xa5: {  	s26 =	simm.s32 $execute0_lowered;
	[smem:$0x3FD2] =	sst s25  }
0xa6: {  	s5 =	sshll.u32 s26, $0x1;
	_ =	strace $0x80000046;
	[dreg:$0x1] =	wrdreg $0xFFFFFFFF  }
0xa7: {  	s28 =	simm.s32 $_size_execute0_lowered;
	s3 =	sadd.s32 s3, s5;
	[dreg:$0x0] =	wrdreg $0x0  }
0xa8: {  	s5 =	sshll.u32 s28, $0x1;
	[dreg:$0x2] =	wrdreg s3  }
0xa9: {  	[dreg:$0x3] =	wrdreg s5  }
0xaa: {  	[dreg:$0x4] =	wrdreg $0xC0  }
0xab: {  	_ =	task [dreg:s7], $0x5FFFF  }
0xac: {  	[dreg:$0x1] =	wrdreg $0xFFFFFFFF  }
0xad: {  	[dreg:$0x0] =	wrdreg $0x60  }
0xae: {  	[dreg:$0x2] =	wrdreg s2  }
0xaf: {  	[dreg:$0x3] =	wrdreg s24  }
0xb0: {  	[dreg:$0x4] =	wrdreg $0x9  }
0xb1: {  	_ =	task.clear_ibuf [dreg:s7], $0x5FFFF;
	_ =	strace $0x90000046  }
0xb2: {  	s29 =	simm.s32 $0x9;
	_ =	strace $0x80000048  }
0xb3: {  	_ =	swait.ge [sflag:s29], $0x1  }
0xb4: {  	[sflag:s29] =	ssyncadd.s32 $0xFFFFFFFF  }
0xb5: {  	_ =	strace $0x90000048  }
0xb6: {  	_ =	sfence  }
0xb7: {  	s30 =	sld [smem:$0x0];
	_ =	sdelay $0x2  }
0xb8: {  	s31 =	sshll.u32 s1, $0xD;
	s1 =	sshrl.u32 s1, $0x2  }
0xb9: {  	s3 =	sand.u32 $0x4000, s31;
	s1 =	sadd.s32 s1, s30  }
0xba: {  	s0 =	sor.u32 s3, s0;
	s1 =	sshll.u32 s1, $0x11  }
0xbb: {  	s0 =	sor.u32 s1, s0  }
0xbc: {  	s0 =	sadd.s32 $0x8F2B, s0  }
0xbd: {  	[sflag:s0] =	ssyncadd.remote.s32 $0x1  }
0xbe: {  	_ =	sfence.sel $0xFFFF  }
0xbf: {  	[dreg:$0x0] =	wrdreg $0xFFFFFFFF;
	(pc) =	sbr.abs _section_cstart, $3  }
0xc0: {  	[dreg:$0x1] =	wrdreg $0xFFFFFFFF  }
0xc1: {  	_ =	task.clear_ibuf [dreg:s7], $0x2FFFF;
	_ =	strace $0x9FFFFFFF  }
0xc2: {  	(tm) =	ssettm $0x7FFFFFFF  }
0xc3: {  	_ =	shalt  }
tec
execute0_lowered:
.L_overlay_start_1:
0x0: {  	(tag) =	ssettag $0x1  }
0x1: {  	s1 =	srdreg.scid;
	s0 =	stileid.u32  }
0x2: {  	s1 =	sand.u32 $0x1, s1;
	s3 =	sshll.u32 s0, $0x1  }
0x3: {  	s2 =	rddreg [dreg:$0x0];
	s3 =	sor.u32 s1, s3  }
0x4: {  	s4 =	rddreg [dreg:$0x1];
	s5 =	smul.u32 $0x140, s3;
	s3 =	simm.s32 $0x0  }
0x5: {  	s6 =	simm.s32 $0x100;
	[smem:$0x7FF] =	sst s3  }
0x6: {  	s7 =	simm.s32 $0xB00;
	_ =	strace $0x80000047;
	[dreg:$0x7] =	wrdreg s6  }
0x7: {  	s8 =	simm.s32 $0x180;
	[dreg:$0x8] =	wrdreg s7  }
0x8: {  	s9 =	simm.s32 $0xB80;
	[dreg:$0x9] =	wrdreg s8  }
0x9: {  	s10 =	simm.s32 $0x200;
	[dreg:$0xa] =	wrdreg s9  }
0xa: {  	s11 =	simm.s32 $0xC00;
	[dreg:$0xb] =	wrdreg s10  }
0xb: {  	s12 =	simm.s32 $0x280;
	[dreg:$0xc] =	wrdreg s11  }
0xc: {  	s13 =	simm.s32 $0xC80;
	[dreg:$0xd] =	wrdreg s12  }
0xd: {  	s14 =	simm.s32 $0x300;
	[dreg:$0xe] =	wrdreg s13  }
0xe: {  	s15 =	simm.s32 $0xD00;
	[dreg:$0xf] =	wrdreg s14  }
0xf: {  	s16 =	simm.s32 $0x380;
	[dreg:$0x10] =	wrdreg s15  }
0x10: {  	s17 =	simm.s32 $0xD80;
	[dreg:$0x11] =	wrdreg s16  }
0x11: {  	s4 =	sadd.s32 s5, s4;
	[dreg:$0x12] =	wrdreg s17;
	s6 =	simm.s32 $0x400  }
0x12: {  	s5 =	sadd.s32 $0x1C00, s4;
	[dreg:$0x13] =	wrdreg s6  }
0x13: {  	s0 =	sadd.s32 $0x6C00, s4;
	[dreg:$0x3] =	wrdreg s5  }
0x14: {  	s4 =	sadd.s32 $0x4400, s4;
	[dreg:$0x4] =	wrdreg s0  }
0x15: {  	[dreg:$0x5] =	wrdreg s4;
	s5 =	simm.s32 $0xA80  }
0x16: {  	[dreg:$0x6] =	wrdreg s5  }
0x17: {  	s4 =	simm.s32 $0x2;
	s18 =	rddreg [dreg:$0x3]  }
0x18: {  	[tilespmem:s3], [sflag:$0x2] =	stream.linear.gather [hbm4b:s18+s3], $0xA00, $0x38;
	[tilespmem:$0x1400] =	vst v63  }
0x19: {  	_ =	swait.ge [sflag:s4], $0xA00  }
0x1a: {  	[sflag:s4] =	ssyncset.done $0x0  }
0x1b: {  	s19 =	rddreg [dreg:$0x4];
	[sflag:s4] =	ssyncadd.s32 $0xFFFFF600  }
0x1c: {  	[hbm4b:s19+s3] =	stream.linear.scatter [tilespmem:s3], [sflag:$0x2], $0xA00, $0x38;
	[tilespmem:$0x1400] =	vst v63  }
0x1d: {  	_ =	swait.ge [sflag:s4], $0xA00  }
0x1e: {  	s7 =	rddreg [dreg:$0x12]  }
0x1f: {  	s8 =	rddreg [dreg:$0x10]  }
0x20: {  	s9 =	rddreg [dreg:$0xe]  }
0x21: {  	s10 =	rddreg [dreg:$0xc]  }
0x22: {  	s6 =	simm.s32 $0x80;
	s11 =	rddreg [dreg:$0x7];
	[sflag:s4] =	ssyncset.done $0x0  }
0x23: {  	s5 =	simm.s32 $0xA00;
	s12 =	rddreg [dreg:$0x6];
	[sflag:s4] =	ssyncadd.s32 $0xFFFFF600  }
0x24: {  	[tilespmem:s5], [sflag:$0x1] =	stream.indirect.gather [hbm4b:s2+s6], $0x1, s3, s6, $0xb8;
	[tilespmem:$0x1400] =	vst v63  }
0x25: {  	s13 =	rddreg [dreg:$0x8]  }
0x26: {  	[tilespmem:s12], [sflag:$0x1] =	stream.indirect.gather [hbm4b:s2+s6], $0x1, s6, s6, $0xb8;
	[tilespmem:$0x1400] =	vst v63  }
0x27: {  	s14 =	rddreg [dreg:$0xa]  }
0x28: {  	[tilespmem:s13], [sflag:$0x1] =	stream.indirect.gather [hbm4b:s2+s6], $0x1, s11, s6, $0xb8;
	[tilespmem:$0x1400] =	vst v63  }
0x29: {  	s20 =	rddreg [dreg:$0x9]  }
0x2a: {  	[tilespmem:s14], [sflag:$0x1] =	stream.indirect.gather [hbm4b:s2+s6], $0x1, s20, s6, $0xb8;
	[tilespmem:$0x1400] =	vst v63  }
0x2b: {  	s21 =	rddreg [dreg:$0xb]  }
0x2c: {  	[tilespmem:s10], [sflag:$0x1] =	stream.indirect.gather [hbm4b:s2+s6], $0x1, s21, s6, $0xb8;
	[tilespmem:$0x1400] =	vst v63  }
0x2d: {  	s22 =	rddreg [dreg:$0xd]  }
0x2e: {  	[tilespmem:s9], [sflag:$0x1] =	stream.indirect.gather [hbm4b:s2+s6], $0x1, s22, s6, $0xb8;
	[tilespmem:$0x1400] =	vst v63  }
0x2f: {  	s23 =	rddreg [dreg:$0xf]  }
0x30: {  	[tilespmem:s8], [sflag:$0x1] =	stream.indirect.gather [hbm4b:s2+s6], $0x1, s23, s6, $0xb8;
	[tilespmem:$0x1400] =	vst v63  }
0x31: {  	s24 =	rddreg [dreg:$0x11]  }
0x32: {  	[tilespmem:s7], [sflag:$0x1] =	stream.indirect.gather [hbm4b:s2+s6], $0x1, s24, s6, $0xb8;
	[tilespmem:$0x1400] =	vst v63  }
0x33: {  	s26 =	simm.s32 $0xE00;
	s25 =	rddreg [dreg:$0x13]  }
0x34: {  	[tilespmem:s26], [sflag:$0x1] =	stream.indirect.gather [hbm4b:s2+s6], $0x1, s25, s6, $0xb8;
	[tilespmem:$0x1400] =	vst v63  }
0x35: {  	s8 =	simm.s32 $0xE80;
	s7 =	simm.s32 $0x480  }
0x36: {  	[tilespmem:s8], [sflag:$0x1] =	stream.indirect.gather [hbm4b:s2+s6], $0x1, s7, s6, $0xb8;
	[tilespmem:$0x1400] =	vst v63  }
0x37: {  	s10 =	simm.s32 $0xF00;
	s9 =	simm.s32 $0x500  }
0x38: {  	[tilespmem:s10], [sflag:$0x1] =	stream.indirect.gather [hbm4b:s2+s6], $0x1, s9, s6, $0xb8;
	[tilespmem:$0x1400] =	vst v63  }
0x39: {  	s12 =	simm.s32 $0xF80;
	s11 =	simm.s32 $0x580  }
0x3a: {  	[tilespmem:s12], [sflag:$0x1] =	stream.indirect.gather [hbm4b:s2+s6], $0x1, s11, s6, $0xb8;
	[tilespmem:$0x1400] =	vst v63  }
0x3b: {  	s15 =	simm.s32 $0x1000;
	s14 =	simm.s32 $0x600  }
0x3c: {  	[tilespmem:s15], [sflag:$0x1] =	stream.indirect.gather [hbm4b:s2+s6], $0x1, s14, s6, $0xb8;
	[tilespmem:$0x1400] =	vst v63  }
0x3d: {  	s16 =	simm.s32 $0x680;
	s17 =	simm.s32 $0x1080  }
0x3e: {  	[tilespmem:s17], [sflag:$0x1] =	stream.indirect.gather [hbm4b:s2+s6], $0x1, s16, s6, $0xb8;
	[tilespmem:$0x1400] =	vst v63  }
0x3f: {  	s18 =	simm.s32 $0x700;
	s19 =	simm.s32 $0x1100  }
0x40: {  	[tilespmem:s19], [sflag:$0x1] =	stream.indirect.gather [hbm4b:s2+s6], $0x1, s18, s6, $0xb8;
	[tilespmem:$0x1400] =	vst v63  }
0x41: {  	s20 =	simm.s32 $0x780;
	s21 =	simm.s32 $0x1180  }
0x42: {  	[tilespmem:s21], [sflag:$0x1] =	stream.indirect.gather [hbm4b:s2+s6], $0x1, s20, s6, $0xb8;
	[tilespmem:$0x1400] =	vst v63  }
0x43: {  	s22 =	simm.s32 $0x800;
	s23 =	simm.s32 $0x1200  }
0x44: {  	[tilespmem:s23], [sflag:$0x1] =	stream.indirect.gather [hbm4b:s2+s6], $0x1, s22, s6, $0xb8;
	[tilespmem:$0x1400] =	vst v63  }
0x45: {  	s24 =	simm.s32 $0x880;
	s25 =	simm.s32 $0x1280  }
0x46: {  	[tilespmem:s25], [sflag:$0x1] =	stream.indirect.gather [hbm4b:s2+s6], $0x1, s24, s6, $0xb8;
	[tilespmem:$0x1400] =	vst v63  }
0x47: {  	s28 =	simm.s32 $0x1300;
	s26 =	simm.s32 $0x900  }
0x48: {  	[tilespmem:s28], [sflag:$0x1] =	stream.indirect.gather [hbm4b:s2+s6], $0x1, s26, s6, $0xb8;
	[tilespmem:$0x1400] =	vst v63  }
0x49: {  	s30 =	simm.s32 $0x980;
	s31 =	simm.s32 $0x1380;
	s29 =	simm.s32 $0x1  }
0x4a: {  	[tilespmem:s31], [sflag:$0x1] =	stream.indirect.gather [hbm4b:s2+s6], $0x1, s30, s6, $0xb8;
	[tilespmem:$0x1400] =	vst v63  }
0x4b: {  	_ =	swait.ge [sflag:s29], $0x80  }
0x4c: {  	[sflag:s29] =	ssyncset.done $0x0  }
0x4d: {  	[sflag:s29] =	ssyncadd.s32 $0xFFFFFF80  }
0x4e: {  	_ =	swait.ge [sflag:s29], $0x80  }
0x4f: {  	[sflag:s29] =	ssyncset.done $0x0  }
0x50: {  	[sflag:s29] =	ssyncadd.s32 $0xFFFFFF80  }
0x51: {  	_ =	swait.ge [sflag:s29], $0x80  }
0x52: {  	[sflag:s29] =	ssyncset.done $0x0  }
0x53: {  	[sflag:s29] =	ssyncadd.s32 $0xFFFFFF80  }
0x54: {  	_ =	swait.ge [sflag:s29], $0x80  }
0x55: {  	[sflag:s29] =	ssyncset.done $0x0  }
0x56: {  	[sflag:s29] =	ssyncadd.s32 $0xFFFFFF80  }
0x57: {  	_ =	swait.ge [sflag:s29], $0x80  }
0x58: {  	[sflag:s29] =	ssyncset.done $0x0  }
0x59: {  	[sflag:s29] =	ssyncadd.s32 $0xFFFFFF80  }
0x5a: {  	_ =	swait.ge [sflag:s29], $0x80  }
0x5b: {  	[sflag:s29] =	ssyncset.done $0x0  }
0x5c: {  	[sflag:s29] =	ssyncadd.s32 $0xFFFFFF80  }
0x5d: {  	_ =	swait.ge [sflag:s29], $0x80  }
0x5e: {  	[sflag:s29] =	ssyncset.done $0x0  }
0x5f: {  	[sflag:s29] =	ssyncadd.s32 $0xFFFFFF80  }
0x60: {  	_ =	swait.ge [sflag:s29], $0x80  }
0x61: {  	[sflag:s29] =	ssyncset.done $0x0  }
0x62: {  	[sflag:s29] =	ssyncadd.s32 $0xFFFFFF80  }
0x63: {  	_ =	swait.ge [sflag:s29], $0x80  }
0x64: {  	[sflag:s29] =	ssyncset.done $0x0  }
0x65: {  	[sflag:s29] =	ssyncadd.s32 $0xFFFFFF80  }
0x66: {  	_ =	swait.ge [sflag:s29], $0x80  }
0x67: {  	[sflag:s29] =	ssyncset.done $0x0  }
0x68: {  	[sflag:s29] =	ssyncadd.s32 $0xFFFFFF80  }
0x69: {  	_ =	swait.ge [sflag:s29], $0x80  }
0x6a: {  	[sflag:s29] =	ssyncset.done $0x0  }
0x6b: {  	[sflag:s29] =	ssyncadd.s32 $0xFFFFFF80  }
0x6c: {  	_ =	swait.ge [sflag:s29], $0x80  }
0x6d: {  	[sflag:s29] =	ssyncset.done $0x0  }
0x6e: {  	[sflag:s29] =	ssyncadd.s32 $0xFFFFFF80  }
0x6f: {  	_ =	swait.ge [sflag:s29], $0x80  }
0x70: {  	[sflag:s29] =	ssyncset.done $0x0  }
0x71: {  	[sflag:s29] =	ssyncadd.s32 $0xFFFFFF80  }
0x72: {  	_ =	swait.ge [sflag:s29], $0x80  }
0x73: {  	[sflag:s29] =	ssyncset.done $0x0  }
0x74: {  	[sflag:s29] =	ssyncadd.s32 $0xFFFFFF80  }
0x75: {  	_ =	swait.ge [sflag:s29], $0x80  }
0x76: {  	[sflag:s29] =	ssyncset.done $0x0  }
0x77: {  	[sflag:s29] =	ssyncadd.s32 $0xFFFFFF80  }
0x78: {  	_ =	swait.ge [sflag:s29], $0x80  }
0x79: {  	[sflag:s29] =	ssyncset.done $0x0  }
0x7a: {  	[sflag:s29] =	ssyncadd.s32 $0xFFFFFF80  }
0x7b: {  	s1 =	ssub.s32 $0x2, s1;
	_ =	swait.ge [sflag:s29], $0x80  }
0x7c: {  	s13 =	sshrl.u32 s1, $0x1;
	[sflag:s29] =	ssyncset.done $0x0  }
0x7d: {  	s0 =	ssub.s32 s1, s13;
	[sflag:s29] =	ssyncadd.s32 $0xFFFFFF80  }
0x7e: {  	s0 =	smax.u32 s0, $0x1;
	_ =	swait.ge [sflag:s29], $0x80  }
0x7f: {  	p0 =	sne.s32 s0, $0x1;
	[sflag:s29] =	ssyncset.done $0x0  }
.Ltmp0:
0x80: {  	[sflag:s29] =	ssyncadd.s32 $0xFFFFFF80;
	(pc) =	sbr.rel @!p0 .LBB2_2-.Ltmp0, $4  }
0x81: {  	_ =	swait.ge [sflag:s29], $0x80  }
0x82: {  	[sflag:s29] =	ssyncset.done $0x0  }
0x83: {  	[sflag:s29] =	ssyncadd.s32 $0xFFFFFF80  }
0x84: {  	s1 =	sadd.s32 $0xFFFFFFFF, s0;
	_ =	swait.ge [sflag:s29], $0x80  }
.LBB2_1:
0x85: {  	[sflag:s29] =	ssyncset.done $0x0  }
0x86: {  	s0 =	rddreg [dreg:$0x5];
	[sflag:s29] =	ssyncadd.s32 $0xFFFFFF80  }
0x87: {  	[hbm4b:s0+s3] =	stream.linear.scatter [tilespmem:s5], [sflag:$0x2], $0xA00, $0x38;
	[tilespmem:$0x1400] =	vst v63  }
0x88: {  	_ =	swait.ge [sflag:s4], $0xA00  }
0x89: {  	[sflag:s4] =	ssyncset.done $0x0  }
0x8a: {  	s10 =	rddreg [dreg:$0x3];
	[sflag:s4] =	ssyncadd.s32 $0xFFFFF600  }
0x8b: {  	[tilespmem:s3], [sflag:$0x2] =	stream.linear.gather [hbm4b:s10+s3], $0xA00, $0x38;
	[tilespmem:$0x1400] =	vst v63  }
0x8c: {  	_ =	swait.ge [sflag:s4], $0xA00  }
0x8d: {  	[sflag:s4] =	ssyncset.done $0x0  }
0x8e: {  	s11 =	rddreg [dreg:$0x4];
	[sflag:s4] =	ssyncadd.s32 $0xFFFFF600  }
0x8f: {  	[hbm4b:s11+s3] =	stream.linear.scatter [tilespmem:s3], [sflag:$0x2], $0xA00, $0x38;
	[tilespmem:$0x1400] =	vst v63  }
0x90: {  	_ =	swait.ge [sflag:s4], $0xA00  }
0x91: {  	s0 =	rddreg [dreg:$0x12]  }
0x92: {  	s7 =	rddreg [dreg:$0x10]  }
0x93: {  	s8 =	rddreg [dreg:$0xe]  }
0x94: {  	s9 =	rddreg [dreg:$0xc]  }
0x95: {  	s10 =	rddreg [dreg:$0x7];
	[sflag:s4] =	ssyncset.done $0x0  }
0x96: {  	s11 =	rddreg [dreg:$0x6];
	[sflag:s4] =	ssyncadd.s32 $0xFFFFF600  }
0x97: {  	[tilespmem:s5], [sflag:$0x1] =	stream.indirect.gather [hbm4b:s2+s6], $0x1, s3, s6, $0xb8;
	[tilespmem:$0x1400] =	vst v63  }
0x98: {  	s12 =	rddreg [dreg:$0x8]  }
0x99: {  	[tilespmem:s11], [sflag:$0x1] =	stream.indirect.gather [hbm4b:s2+s6], $0x1, s6, s6, $0xb8;
	[tilespmem:$0x1400] =	vst v63  }
0x9a: {  	s13 =	rddreg [dreg:$0xa]  }
0x9b: {  	[tilespmem:s12], [sflag:$0x1] =	stream.indirect.gather [hbm4b:s2+s6], $0x1, s10, s6, $0xb8;
	[tilespmem:$0x1400] =	vst v63  }
0x9c: {  	s11 =	rddreg [dreg:$0x9]  }
0x9d: {  	[tilespmem:s13], [sflag:$0x1] =	stream.indirect.gather [hbm4b:s2+s6], $0x1, s11, s6, $0xb8;
	[tilespmem:$0x1400] =	vst v63  }
0x9e: {  	s12 =	rddreg [dreg:$0xb]  }
0x9f: {  	[tilespmem:s9], [sflag:$0x1] =	stream.indirect.gather [hbm4b:s2+s6], $0x1, s12, s6, $0xb8;
	[tilespmem:$0x1400] =	vst v63  }
0xa0: {  	s13 =	rddreg [dreg:$0xd]  }
0xa1: {  	[tilespmem:s8], [sflag:$0x1] =	stream.indirect.gather [hbm4b:s2+s6], $0x1, s13, s6, $0xb8;
	[tilespmem:$0x1400] =	vst v63  }
0xa2: {  	s10 =	rddreg [dreg:$0xf]  }
0xa3: {  	[tilespmem:s7], [sflag:$0x1] =	stream.indirect.gather [hbm4b:s2+s6], $0x1, s10, s6, $0xb8;
	[tilespmem:$0x1400] =	vst v63  }
0xa4: {  	s11 =	rddreg [dreg:$0x11]  }
0xa5: {  	[tilespmem:s0], [sflag:$0x1] =	stream.indirect.gather [hbm4b:s2+s6], $0x1, s11, s6, $0xb8;
	[tilespmem:$0x1400] =	vst v63  }
0xa6: {  	s12 =	rddreg [dreg:$0x13];
	s13 =	simm.s32 $0xE00  }
0xa7: {  	[tilespmem:s13], [sflag:$0x1] =	stream.indirect.gather [hbm4b:s2+s6], $0x1, s12, s6, $0xb8;
	[tilespmem:$0x1400] =	vst v63  }
0xa8: {  	s9 =	simm.s32 $0xE80;
	s8 =	simm.s32 $0x480  }
0xa9: {  	[tilespmem:s9], [sflag:$0x1] =	stream.indirect.gather [hbm4b:s2+s6], $0x1, s8, s6, $0xb8;
	[tilespmem:$0x1400] =	vst v63  }
0xaa: {  	s10 =	simm.s32 $0x500;
	s11 =	simm.s32 $0xF00  }
0xab: {  	[tilespmem:s11], [sflag:$0x1] =	stream.indirect.gather [hbm4b:s2+s6], $0x1, s10, s6, $0xb8;
	[tilespmem:$0x1400] =	vst v63  }
0xac: {  	s12 =	simm.s32 $0x580;
	s13 =	simm.s32 $0xF80  }
0xad: {  	[tilespmem:s13], [sflag:$0x1] =	stream.indirect.gather [hbm4b:s2+s6], $0x1, s12, s6, $0xb8;
	[tilespmem:$0x1400] =	vst v63  }
0xae: {  	_ = 	snop  }
0xaf: {  	[tilespmem:s15], [sflag:$0x1] =	stream.indirect.gather [hbm4b:s2+s6], $0x1, s14, s6, $0xb8;
	[tilespmem:$0x1400] =	vst v63  }
0xb0: {  	_ = 	snop  }
0xb1: {  	[tilespmem:s17], [sflag:$0x1] =	stream.indirect.gather [hbm4b:s2+s6], $0x1, s16, s6, $0xb8;
	[tilespmem:$0x1400] =	vst v63  }
0xb2: {  	_ = 	snop  }
0xb3: {  	[tilespmem:s19], [sflag:$0x1] =	stream.indirect.gather [hbm4b:s2+s6], $0x1, s18, s6, $0xb8;
	[tilespmem:$0x1400] =	vst v63  }
0xb4: {  	_ = 	snop  }
0xb5: {  	[tilespmem:s21], [sflag:$0x1] =	stream.indirect.gather [hbm4b:s2+s6], $0x1, s20, s6, $0xb8;
	[tilespmem:$0x1400] =	vst v63  }
0xb6: {  	_ = 	snop  }
0xb7: {  	[tilespmem:s23], [sflag:$0x1] =	stream.indirect.gather [hbm4b:s2+s6], $0x1, s22, s6, $0xb8;
	[tilespmem:$0x1400] =	vst v63  }
0xb8: {  	_ = 	snop  }
0xb9: {  	[tilespmem:s25], [sflag:$0x1] =	stream.indirect.gather [hbm4b:s2+s6], $0x1, s24, s6, $0xb8;
	[tilespmem:$0x1400] =	vst v63  }
0xba: {  	_ = 	snop  }
0xbb: {  	[tilespmem:s28], [sflag:$0x1] =	stream.indirect.gather [hbm4b:s2+s6], $0x1, s26, s6, $0xb8;
	[tilespmem:$0x1400] =	vst v63  }
0xbc: {  	_ = 	snop  }
0xbd: {  	[tilespmem:s31], [sflag:$0x1] =	stream.indirect.gather [hbm4b:s2+s6], $0x1, s30, s6, $0xb8;
	[tilespmem:$0x1400] =	vst v63  }
0xbe: {  	_ =	swait.ge [sflag:s29], $0x80  }
0xbf: {  	[sflag:s29] =	ssyncset.done $0x0  }
0xc0: {  	[sflag:s29] =	ssyncadd.s32 $0xFFFFFF80  }
0xc1: {  	_ =	swait.ge [sflag:s29], $0x80  }
0xc2: {  	[sflag:s29] =	ssyncset.done $0x0  }
0xc3: {  	[sflag:s29] =	ssyncadd.s32 $0xFFFFFF80  }
0xc4: {  	_ =	swait.ge [sflag:s29], $0x80  }
0xc5: {  	[sflag:s29] =	ssyncset.done $0x0  }
0xc6: {  	[sflag:s29] =	ssyncadd.s32 $0xFFFFFF80  }
0xc7: {  	_ =	swait.ge [sflag:s29], $0x80  }
0xc8: {  	[sflag:s29] =	ssyncset.done $0x0  }
0xc9: {  	[sflag:s29] =	ssyncadd.s32 $0xFFFFFF80  }
0xca: {  	_ =	swait.ge [sflag:s29], $0x80  }
0xcb: {  	[sflag:s29] =	ssyncset.done $0x0  }
0xcc: {  	[sflag:s29] =	ssyncadd.s32 $0xFFFFFF80  }
0xcd: {  	_ =	swait.ge [sflag:s29], $0x80  }
0xce: {  	[sflag:s29] =	ssyncset.done $0x0  }
0xcf: {  	[sflag:s29] =	ssyncadd.s32 $0xFFFFFF80  }
0xd0: {  	_ =	swait.ge [sflag:s29], $0x80  }
0xd1: {  	[sflag:s29] =	ssyncset.done $0x0  }
0xd2: {  	[sflag:s29] =	ssyncadd.s32 $0xFFFFFF80  }
0xd3: {  	_ =	swait.ge [sflag:s29], $0x80  }
0xd4: {  	[sflag:s29] =	ssyncset.done $0x0  }
0xd5: {  	[sflag:s29] =	ssyncadd.s32 $0xFFFFFF80  }
0xd6: {  	_ =	swait.ge [sflag:s29], $0x80  }
0xd7: {  	[sflag:s29] =	ssyncset.done $0x0  }
0xd8: {  	[sflag:s29] =	ssyncadd.s32 $0xFFFFFF80  }
0xd9: {  	_ =	swait.ge [sflag:s29], $0x80  }
0xda: {  	[sflag:s29] =	ssyncset.done $0x0  }
0xdb: {  	[sflag:s29] =	ssyncadd.s32 $0xFFFFFF80  }
0xdc: {  	_ =	swait.ge [sflag:s29], $0x80  }
0xdd: {  	[sflag:s29] =	ssyncset.done $0x0  }
0xde: {  	[sflag:s29] =	ssyncadd.s32 $0xFFFFFF80  }
0xdf: {  	_ =	swait.ge [sflag:s29], $0x80  }
0xe0: {  	[sflag:s29] =	ssyncset.done $0x0  }
0xe1: {  	[sflag:s29] =	ssyncadd.s32 $0xFFFFFF80  }
0xe2: {  	_ =	swait.ge [sflag:s29], $0x80  }
0xe3: {  	[sflag:s29] =	ssyncset.done $0x0  }
0xe4: {  	[sflag:s29] =	ssyncadd.s32 $0xFFFFFF80  }
0xe5: {  	_ =	swait.ge [sflag:s29], $0x80  }
0xe6: {  	[sflag:s29] =	ssyncset.done $0x0  }
0xe7: {  	[sflag:s29] =	ssyncadd.s32 $0xFFFFFF80  }
0xe8: {  	_ =	swait.ge [sflag:s29], $0x80  }
0xe9: {  	[sflag:s29] =	ssyncset.done $0x0  }
0xea: {  	[sflag:s29] =	ssyncadd.s32 $0xFFFFFF80  }
0xeb: {  	_ =	swait.ge [sflag:s29], $0x80  }
0xec: {  	[sflag:s29] =	ssyncset.done $0x0  }
0xed: {  	[sflag:s29] =	ssyncadd.s32 $0xFFFFFF80  }
0xee: {  	_ =	swait.ge [sflag:s29], $0x80  }
0xef: {  	[sflag:s29] =	ssyncset.done $0x0  }
0xf0: {  	[sflag:s29] =	ssyncadd.s32 $0xFFFFFF80  }
0xf1: {  	_ =	swait.ge [sflag:s29], $0x80  }
0xf2: {  	p0 =	sne.s32 s1, $0x1;
	[sflag:s29] =	ssyncset.done $0x0  }
.Ltmp1:
0xf3: {  	[sflag:s29] =	ssyncadd.s32 $0xFFFFFF80;
	(pc) =	sbr.rel @p0 .LBB2_1-.Ltmp1, $4  }
0xf4: {  	_ =	swait.ge [sflag:s29], $0x80  }
0xf5: {  	[sflag:s29] =	ssyncset.done $0x0  }
0xf6: {  	[sflag:s29] =	ssyncadd.s32 $0xFFFFFF80  }
0xf7: {  	s1 =	sadd.s32 $0xFFFFFFFF, s1;
	_ =	swait.ge [sflag:s29], $0x80  }
.LBB2_2:
0xf8: {  	[sflag:s29] =	ssyncset.done $0x0  }
0xf9: {  	s0 =	rddreg [dreg:$0x5];
	[sflag:s29] =	ssyncadd.s32 $0xFFFFFF80  }
0xfa: {  	[hbm4b:s0+s3] =	stream.linear.scatter [tilespmem:s5], [sflag:$0x2], $0xA00, $0x38;
	[tilespmem:$0x1400] =	vst v63  }
0xfb: {  	_ =	swait.ge [sflag:s4], $0xA00  }
0xfc: {  	[sflag:s4] =	ssyncset.done $0x0  }
0xfd: {  	[sflag:s4] =	ssyncadd.s32 $0xFFFFF600  }
0xfe: {  	_ =	sfence.sel $0x180000  }
0xff: {  	[bflag:$0x0] =	sbarrier.arrive $0xFFFF  }
0x100: {  	_ =	strace $0x90000047  }
0x101: {  	s31 =	stileid.u32;
	[bflag:$0x2] =	sbarrier.arrive $0xFFFF  }
0x102: {  	p0 =	sne.s32 s31, $0x0;
	s0 =	rddreg [dreg:$0x2]  }
0x103: {  	s0 =	sadd.s32 @!p0 $0x100000, s0  }
0x104: {  	[sflag:s0] =	ssyncadd.tile.s32 @!p0 $0x1;
	_ =	shalt  }
.Lfunc_end2:
_tile_overlayer_lowered:
.L_overlay_start_2:
0x105: {  	(tag) =	ssettag $0x2  }
0x106: {  	s0 =	rddreg [dreg:$0x0];
	s2 =	stileid.u32  }
0x107: {  	s1 =	rddreg [dreg:$0x1];
	p0 =	sne.s32 s2, $0x0  }
0x108: {  	s3 =	rddreg [dreg:$0x2];
	[bflag:$0x3] =	sbarrier.arrive $0xFFFF;
	s2 =	simm.s32 @!p0 $0x1C02  }
0x109: {  	[timem:s3], [sflag:s2] =	dma.local @!p0 [hbm:s0], s1  }
0x10a: {  	s0 =	simm.s32 @!p0 $0x2  }
0x10b: {  	_ =	swait.ge @!p0 [sflag:s0], s1  }
0x10c: {  	s1 =	ssub.s32 @!p0 $0x0, s1;
	[sflag:s0] =	ssyncset.done @!p0 $0x0  }
0x10d: {  	[sflag:s0] =	ssyncadd.s32 @!p0 s1  }
0x10e: {  	[bflag:$0x3] =	sbarrier.arrive $0xFFFF  }
0x10f: {  	_ =	shalt  }

</sc_bundles>
